<compile_context>
chip_gen: v7x
topology: tpu7x:2x2x1
jax: 0.10.2.dev20260603
libtpu: 0.0.44.dev20260713+nightly
codegen_flags: <defaults>
</compile_context>

<pallas_src>
import functools

import jax
import jax.numpy as jnp
from jax import lax
from jax.experimental import pallas as pl
from jax.experimental.pallas import tpu as pltpu
from jax.experimental.pallas import tpu_sc as plsc

N = 10000
E = 320000
D = 128

NC = 2
NS = 16
NW = NC * NS

HK = 80
EPT = E // NW
NCHUNK = EPT // HK
STRIPE = 632
NP = NS * STRIPE
HR = 80


def _hist_body(src_hbm, dst_hbm, zeros_hbm, out_hbm,
               sidx_v, didx_v, hs_v, hd_v):
    c = lax.axis_index("c")
    s = lax.axis_index("s")
    wid = c * NS + s
    pltpu.sync_copy(zeros_hbm, hs_v)
    pltpu.sync_copy(zeros_hbm, hd_v)
    base = pl.multiple_of(wid * EPT, 8)
    pltpu.sync_copy(src_hbm.at[pl.ds(base, EPT)], sidx_v)
    pltpu.sync_copy(dst_hbm.at[pl.ds(base, EPT)], didx_v)
    ones = jnp.ones((16,), jnp.float32)

    def step(j, carry):
        off = pl.multiple_of(j * 16, 8)
        sv = sidx_v[pl.ds(off, 16)]
        plsc.addupdate_scatter(
            hs_v, [jax.lax.shift_right_logical(sv, 7), sv & 127], ones)
        dv = didx_v[pl.ds(off, 16)]
        plsc.addupdate_scatter(
            hd_v, [jax.lax.shift_right_logical(dv, 7), dv & 127], ones)
        return carry

    lax.fori_loop(0, EPT // 16, step, 0)
    pltpu.sync_copy(hs_v, out_hbm.at[c, 0, s])
    pltpu.sync_copy(hd_v, out_hbm.at[c, 1, s])


NBUF = 3


def _agg_body(feat_hbm, src_hbm, dst_hbm, zeros_hbm, out_hbm,
              sidx_all, didx0, didx1, didx2,
              rows0, rows1, rows2, semg0, semg1, semg2,
              semd0, semd1, semd2, sems0, sems1, sems2, agg_sh):
    c = lax.axis_index("c")
    s = lax.axis_index("s")
    wid = c * NS + s
    pltpu.sync_copy(zeros_hbm, agg_sh.at[pl.ds(s * STRIPE, STRIPE)])
    plsc.subcore_barrier()
    base = wid * EPT
    didx = (didx0, didx1, didx2)
    rows = (rows0, rows1, rows2)
    semg = (semg0, semg1, semg2)
    semd = (semd0, semd1, semd2)
    sems = (sems0, sems1, sems2)

    pltpu.sync_copy(src_hbm.at[pl.ds(pl.multiple_of(base, 8), EPT)], sidx_all)

    for k in range(2):
        offk = pl.multiple_of(base + k * HK, 8)
        pltpu.async_copy(dst_hbm.at[pl.ds(offk, HK)], didx[k], semd[k])
        pltpu.async_copy(feat_hbm.at[sidx_all.at[pl.ds(k * HK, HK)]],
                         rows[k], semg[k])

    def super_body(g, carry):
        for b in range(NBUF):
            i = NBUF * g + b
            nb = (b + 2) % NBUF

            @pl.when(i < NCHUNK)
            def _process():
                @pl.when(i >= 1)
                def _drain_prev():
                    pv = i - 1
                    offp = pl.multiple_of(base + pv * HK, 8)
                    pltpu.make_async_copy(
                        rows[nb], agg_sh.at[didx[nb]], sems[nb]).wait()

                nxt = i + 2

                @pl.when(nxt < NCHUNK)
                def _prefetch():
                    offn = pl.multiple_of(base + nxt * HK, 8)
                    pltpu.async_copy(dst_hbm.at[pl.ds(offn, HK)],
                                     didx[nb], semd[nb])
                    pltpu.async_copy(
                        feat_hbm.at[sidx_all.at[pl.ds(nxt * HK, HK)]],
                        rows[nb], semg[nb])

                offi = pl.multiple_of(base + i * HK, 8)
                pltpu.make_async_copy(dst_hbm.at[pl.ds(offi, HK)],
                                      didx[b], semd[b]).wait()
                pltpu.make_async_copy(
                    feat_hbm.at[sidx_all.at[pl.ds(i * HK, HK)]],
                    rows[b], semg[b]).wait()
                pltpu.async_copy(rows[b], agg_sh.at[didx[b]], sems[b],
                                 add=True)
        return carry

    lax.fori_loop(0, (NCHUNK + NBUF - 1) // NBUF, super_body, 0)
    lb = (NCHUNK - 1) % NBUF
    pltpu.make_async_copy(rows[lb], agg_sh.at[didx[lb]], sems[lb]).wait()
    plsc.subcore_barrier()
    pltpu.sync_copy(agg_sh.at[pl.ds(s * STRIPE, STRIPE)], out_hbm.at[c, s])


_hist_call = pl.kernel(
    _hist_body,
    out_type=pltpu.HBM((NC, 2, NS, HR, 128), jnp.float32),
    mesh=plsc.VectorSubcoreMesh(core_axis_name="c", subcore_axis_name="s"),
    compiler_params=pltpu.CompilerParams(needs_layout_passes=False,
                                         skip_device_barrier=True),
    scratch_types=[
        pltpu.VMEM((EPT,), jnp.int32),
        pltpu.VMEM((EPT,), jnp.int32),
        pltpu.VMEM((HR, 128), jnp.float32),
        pltpu.VMEM((HR, 128), jnp.float32),
    ],
)

_agg_call = pl.kernel(
    _agg_body,
    out_type=pltpu.HBM((NC, NS, STRIPE, D), jnp.float32),
    mesh=plsc.VectorSubcoreMesh(core_axis_name="c", subcore_axis_name="s"),
    compiler_params=pltpu.CompilerParams(skip_device_barrier=True),
    scratch_types=(
        [pltpu.VMEM((EPT,), jnp.int32)]
        + [pltpu.VMEM((HK,), jnp.int32)] * 3
        + [pltpu.VMEM((HK, D), jnp.float32)] * 3
        + [pltpu.SemaphoreType.DMA] * 9
        + [pltpu.VMEM_SHARED((NP, D), jnp.float32)]
    ),
)


def _deg_norm(hist_ref, which):
    acc = hist_ref[0, which, 0]
    for c in range(NC):
        for s in range(NS):
            if (c, s) != (0, 0):
                acc = acc + hist_ref[c, which, s]
    acc = jnp.maximum(acc, 1.0)
    full = jnp.broadcast_to(acc[:, :, None], (HR, 128, D))
    full = jnp.reshape(full, (HR * 128, D))[:N]
    return lax.rsqrt(full)


def _prep_body(h_ref, hist_ref, feat_ref):
    feat_ref[...] = h_ref[...] * _deg_norm(hist_ref, 0)


def _finish_body(aggp_ref, hist_ref, w_ref, gamma_ref, beta_ref, out_ref):
    x = (aggp_ref[0, :N] + aggp_ref[1, :N]) * _deg_norm(hist_ref, 1)
    y = jnp.dot(x, w_ref[...], preferred_element_type=jnp.float32)
    mean = jnp.mean(y, axis=0, keepdims=True)
    var = jnp.mean((y - mean) ** 2, axis=0, keepdims=True)
    out_ref[...] = ((y - mean) * lax.rsqrt(var + 1e-5) * gamma_ref[...]
                    + beta_ref[...])


_prep_call = pl.pallas_call(
    _prep_body,
    out_shape=jax.ShapeDtypeStruct((N, D), jnp.float32),
    compiler_params=pltpu.CompilerParams(skip_device_barrier=True),
)

_finish_call = pl.pallas_call(
    _finish_body,
    out_shape=jax.ShapeDtypeStruct((N, D), jnp.float32),
    compiler_params=pltpu.CompilerParams(skip_device_barrier=True),
)


@jax.jit
def kernel(h, edge_index, W, gamma, beta):
    zeros_hr = jnp.zeros((HR, 128), jnp.float32)
    zeros128 = jnp.zeros((STRIPE, D), jnp.float32)
    src = edge_index[0]
    dst = edge_index[1]
    hist = _hist_call(src, dst, zeros_hr)
    feat = _prep_call(h, hist)
    aggp = _agg_call(feat, src, dst, zeros128)
    aggp = aggp.reshape(NC, NP, D)
    return _finish_call(aggp, hist, W,
                        gamma.reshape(1, D), beta.reshape(1, D))

# --- scband reference (transcript-rebuilt; emitter-appended) ---
"""Pipeline reference for scband-general-layer-47974784697086 (READ-ONLY COPY).

The authoritative reference and input builder live on the scoring server;
editing this copy changes nothing except your own understanding.
"""

import jax, jax.numpy as jnp
import numpy as np

N = 10000
E = 320000
D_IN = 128
D_OUT = 128

def setup_inputs(seed: int = 0) -> dict:
    key = jax.random.key(seed)
    k1, k2, k3 = jax.random.split(key, 3)
    h = jax.random.normal(k1, (N, D_IN), dtype=jnp.float32)
    edge_index = jax.random.randint(k2, (2, E), 0, N, dtype=jnp.int32)
    # GraphConv weight (no bias since has_bn=True -> bias=False)
    W = jax.random.normal(k3, (D_IN, D_OUT), dtype=jnp.float32) * (1.0 / np.sqrt(D_IN))
    # BatchNorm1d affine params (fresh init)
    gamma = jnp.ones((D_OUT,), dtype=jnp.float32)
    beta = jnp.zeros((D_OUT,), dtype=jnp.float32)
    return {"h": h, "edge_index": edge_index, "W": W, "gamma": gamma, "beta": beta}

def reference(h, edge_index, W, gamma, beta):
    # DGL GraphConv(norm='both', bias=False, allow_zero_in_degree=True)
    src = edge_index[0]
    dst = edge_index[1]
    ones = jnp.ones((edge_index.shape[1],), dtype=h.dtype)
    # left normalization by out-degree^{-1/2} of source nodes
    deg_out = jax.ops.segment_sum(ones, src, num_segments=N)
    deg_out = jnp.clip(deg_out, 1.0, None)
    norm_src = deg_out ** -0.5
    feat = h * norm_src[:, None]
    feat = feat @ W
    # message passing: gather from src, scatter-add to dst
    msg = feat[src]
    agg = jax.ops.segment_sum(msg, dst, num_segments=N)
    # right normalization by in-degree^{-1/2} of destination nodes
    deg_in = jax.ops.segment_sum(ones, dst, num_segments=N)
    deg_in = jnp.clip(deg_in, 1.0, None)
    norm_dst = deg_in ** -0.5
    out = agg * norm_dst[:, None]
    # BatchNorm1d (training-mode batch statistics, eps=1e-5)
    mean = jnp.mean(out, axis=0)
    var = jnp.var(out, axis=0)
    y = (out - mean) / jnp.sqrt(var + 1e-5) * gamma + beta
    # dropout p=0 -> identity; act=None; has_l2norm=False
    return y

if __name__ == "__main__":
    import jax
    _d = setup_inputs()
    print(jax.jit(kernel)(*tuple(_d.values())))

</pallas_src>

<mosaic_0001>
#map = affine_map<(d0, d1) -> (0, 0)>
#map1 = affine_map<(d0, d1) -> (0)>
#map2 = affine_map<(d0, d1) -> (0, 0, 0, 0)>
module attributes {stable_mosaic.version = 14 : i64} {
  func.func @_agg_body(%arg0: i32, %arg1: i32, %arg2: memref<10000x128xf32, #tpu.memory_space<hbm>>, %arg3: memref<320000xi32, #tpu.memory_space<hbm>>, %arg4: memref<320000xi32, #tpu.memory_space<hbm>>, %arg5: memref<632x128xf32, #tpu.memory_space<hbm>>, %arg6: memref<2x16x632x128xf32, #tpu.memory_space<hbm>>, %arg7: memref<10000xi32, #tpu.memory_space<vmem>>, %arg8: memref<80xi32, #tpu.memory_space<vmem>>, %arg9: memref<80xi32, #tpu.memory_space<vmem>>, %arg10: memref<80xi32, #tpu.memory_space<vmem>>, %arg11: memref<80x128xf32, #tpu.memory_space<vmem>>, %arg12: memref<80x128xf32, #tpu.memory_space<vmem>>, %arg13: memref<80x128xf32, #tpu.memory_space<vmem>>, %arg14: memref<!tpu.dma_semaphore, #tpu.memory_space<semaphore_mem>>, %arg15: memref<!tpu.dma_semaphore, #tpu.memory_space<semaphore_mem>>, %arg16: memref<!tpu.dma_semaphore, #tpu.memory_space<semaphore_mem>>, %arg17: memref<!tpu.dma_semaphore, #tpu.memory_space<semaphore_mem>>, %arg18: memref<!tpu.dma_semaphore, #tpu.memory_space<semaphore_mem>>, %arg19: memref<!tpu.dma_semaphore, #tpu.memory_space<semaphore_mem>>, %arg20: memref<!tpu.dma_semaphore, #tpu.memory_space<semaphore_mem>>, %arg21: memref<!tpu.dma_semaphore, #tpu.memory_space<semaphore_mem>>, %arg22: memref<!tpu.dma_semaphore, #tpu.memory_space<semaphore_mem>>, %arg23: memref<10112x128xf32, #tpu.memory_space<vmem_shared>>) attributes {dimension_semantics = [#tpu.dimension_semantics<core_parallel>, #tpu.dimension_semantics<subcore_parallel>], iteration_bounds = array<i64: 2, 16>, scalar_prefetch = 0 : i64, scratch_operands = 17 : i64, tpu.core_type = #tpu.core_type<sc_vector_subcore>, window_params = [{transform_indices = #map}, {transform_indices = #map1}, {transform_indices = #map1}, {transform_indices = #map}, {transform_indices = #map2}]} {
    %mul3A = arith.constant 16 : i32
    %mul3A_0 = arith.muli %arg0, %mul3A : i32
    %add3A = arith.addi %mul3A_0, %arg1 : i32
    %mul3A_1 = arith.constant 632 : i32
    %mul3A_2 = arith.muli %arg1, %mul3A_1 : i32
    "tpu.region"() ({
      %run_scoped3A = tpu.sem_alloc : memref<!tpu.dma_semaphore, #tpu.memory_space<semaphore_mem>>
      %dma_start3A_34 = arith.constant 0 : i32
      %dma_start3A_35 = tpu.memref_slice %arg23[%mul3A_2, %dma_start3A_34] : memref<10112x128xf32, #tpu.memory_space<vmem_shared>> -> memref<632x128xf32, #tpu.memory_space<vmem_shared>>
      tpu.enqueue_dma source(%arg5 : memref<632x128xf32, #tpu.memory_space<hbm>>) target(%dma_start3A_35 : memref<632x128xf32, #tpu.memory_space<vmem_shared>>) target_semaphore(%run_scoped3A : memref<!tpu.dma_semaphore, #tpu.memory_space<semaphore_mem>>)
      %dma_wait3A_36 = arith.constant 0 : i32
      %dma_wait3A_37 = tpu.memref_slice %arg23[%mul3A_2, %dma_wait3A_36] : memref<10112x128xf32, #tpu.memory_space<vmem_shared>> -> memref<632x128xf32, #tpu.memory_space<vmem_shared>>
      tpu.wait_dma2 semaphore(%run_scoped3A : memref<!tpu.dma_semaphore, #tpu.memory_space<semaphore_mem>>) src(%arg5 : memref<632x128xf32, #tpu.memory_space<hbm>>) dst(%dma_wait3A_37 : memref<632x128xf32, #tpu.memory_space<vmem_shared>>)
      tpu.yield
    }) : () -> ()
    %barrier3A = arith.constant 0 : index
    tpu.barrier barrier_id(%barrier3A)
    %mul3A_3 = arith.constant 10000 : i32
    %mul3A_4 = arith.muli %add3A, %mul3A_3 : i32
    %multiple_of3A = tpu.assume_multiple %mul3A_4, 8 : i32
    "tpu.region"() ({
      %run_scoped3A = tpu.sem_alloc : memref<!tpu.dma_semaphore, #tpu.memory_space<semaphore_mem>>
      %dma_start3A_34 = tpu.memref_slice %arg3[%multiple_of3A] : memref<320000xi32, #tpu.memory_space<hbm>> -> memref<10000xi32, #tpu.memory_space<hbm>>
      %dma_start3A_35 = tpu.memref_slice %arg3[%multiple_of3A] : memref<320000xi32, #tpu.memory_space<hbm>> -> memref<10000xi32, #tpu.memory_space<hbm>>
      tpu.enqueue_dma source(%dma_start3A_35 : memref<10000xi32, #tpu.memory_space<hbm>>) target(%arg7 : memref<10000xi32, #tpu.memory_space<vmem>>) target_semaphore(%run_scoped3A : memref<!tpu.dma_semaphore, #tpu.memory_space<semaphore_mem>>)
      %dma_wait3A_36 = tpu.memref_slice %arg3[%multiple_of3A] : memref<320000xi32, #tpu.memory_space<hbm>> -> memref<10000xi32, #tpu.memory_space<hbm>>
      %dma_wait3A_37 = tpu.memref_slice %arg3[%multiple_of3A] : memref<320000xi32, #tpu.memory_space<hbm>> -> memref<10000xi32, #tpu.memory_space<hbm>>
      tpu.wait_dma2 semaphore(%run_scoped3A : memref<!tpu.dma_semaphore, #tpu.memory_space<semaphore_mem>>) src(%dma_wait3A_37 : memref<10000xi32, #tpu.memory_space<hbm>>) dst(%arg7 : memref<10000xi32, #tpu.memory_space<vmem>>)
      tpu.yield
    }) : () -> ()
    %add3A_5 = arith.constant 0 : i32
    %add3A_6 = arith.addi %mul3A_4, %add3A_5 : i32
    %multiple_of3A_7 = tpu.assume_multiple %add3A_6, 8 : i32
    %dma_start3A = tpu.memref_slice %arg4[%multiple_of3A_7] : memref<320000xi32, #tpu.memory_space<hbm>> -> memref<80xi32, #tpu.memory_space<hbm>>
    %dma_start3A_8 = tpu.memref_slice %arg4[%multiple_of3A_7] : memref<320000xi32, #tpu.memory_space<hbm>> -> memref<80xi32, #tpu.memory_space<hbm>>
    tpu.enqueue_dma source(%dma_start3A_8 : memref<80xi32, #tpu.memory_space<hbm>>) target(%arg8 : memref<80xi32, #tpu.memory_space<vmem>>) target_semaphore(%arg17 : memref<!tpu.dma_semaphore, #tpu.memory_space<semaphore_mem>>)
    %dma_start3A_9 = arith.constant 0 : i32
    %dma_start3A_10 = tpu.memref_slice %arg7[%dma_start3A_9] : memref<10000xi32, #tpu.memory_space<vmem>> -> memref<80xi32, #tpu.memory_space<vmem>>
    %dma_start3A_11 = arith.constant 0 : i32
    %dma_start3A_12 = arith.constant 0 : i32
    %dma_start3A_13 = tpu.memref_slice %arg2[%dma_start3A_11, %dma_start3A_12] : memref<10000x128xf32, #tpu.memory_space<hbm>> -> memref<10000x128xf32, #tpu.memory_space<hbm>>
    tpu.enqueue_indirect_dma source(%dma_start3A_13 : memref<10000x128xf32, #tpu.memory_space<hbm>>) target(%arg11 : memref<80x128xf32, #tpu.memory_space<vmem>>) offsets(%dma_start3A_10 : memref<80xi32, #tpu.memory_space<vmem>>) semaphore(%arg14 : memref<!tpu.dma_semaphore, #tpu.memory_space<semaphore_mem>>)
    %add3A_14 = arith.constant 80 : i32
    %add3A_15 = arith.addi %mul3A_4, %add3A_14 : i32
    %multiple_of3A_16 = tpu.assume_multiple %add3A_15, 8 : i32
    %dma_start3A_17 = tpu.memref_slice %arg4[%multiple_of3A_16] : memref<320000xi32, #tpu.memory_space<hbm>> -> memref<80xi32, #tpu.memory_space<hbm>>
    %dma_start3A_18 = tpu.memref_slice %arg4[%multiple_of3A_16] : memref<320000xi32, #tpu.memory_space<hbm>> -> memref<80xi32, #tpu.memory_space<hbm>>
    tpu.enqueue_dma source(%dma_start3A_18 : memref<80xi32, #tpu.memory_space<hbm>>) target(%arg9 : memref<80xi32, #tpu.memory_space<vmem>>) target_semaphore(%arg18 : memref<!tpu.dma_semaphore, #tpu.memory_space<semaphore_mem>>)
    %dma_start3A_19 = arith.constant 80 : i32
    %dma_start3A_20 = tpu.memref_slice %arg7[%dma_start3A_19] : memref<10000xi32, #tpu.memory_space<vmem>> -> memref<80xi32, #tpu.memory_space<vmem>>
    %dma_start3A_21 = arith.constant 0 : i32
    %dma_start3A_22 = arith.constant 0 : i32
    %dma_start3A_23 = tpu.memref_slice %arg2[%dma_start3A_21, %dma_start3A_22] : memref<10000x128xf32, #tpu.memory_space<hbm>> -> memref<10000x128xf32, #tpu.memory_space<hbm>>
    tpu.enqueue_indirect_dma source(%dma_start3A_23 : memref<10000x128xf32, #tpu.memory_space<hbm>>) target(%arg12 : memref<80x128xf32, #tpu.memory_space<vmem>>) offsets(%dma_start3A_20 : memref<80xi32, #tpu.memory_space<vmem>>) semaphore(%arg15 : memref<!tpu.dma_semaphore, #tpu.memory_space<semaphore_mem>>)
    %scan3A = arith.constant 0 : i32
    %scan3A_24 = arith.constant 0 : i32
    %scan3A_25 = arith.constant 42 : i32
    %scan3A_26 = arith.addi %scan3A_24, %scan3A_25 : i32
    %scan3A_27 = arith.constant 1 : i32
    scf.for %scan3A_34 = %scan3A_24 to %scan3A_26 step %scan3A_27  : i32 {
      %mul3A_35 = arith.constant 3 : i32
      %mul3A_36 = arith.muli %mul3A_35, %scan3A_34 : i32
      %add3A_37 = arith.constant 0 : i32
      %add3A_38 = arith.addi %mul3A_36, %add3A_37 : i32
      %lt3A = arith.constant 125 : i32
      %lt3A_39 = arith.cmpi slt, %add3A_38, %lt3A : i32
      %convert_element_type3A = arith.extui %lt3A_39 : i1 to i32
      %cond3A = arith.constant 0 : i32
      %cond3A_40 = arith.cmpi ne, %convert_element_type3A, %cond3A : i32
      scf.if %cond3A_40 {
        %ge3A = arith.constant 1 : i32
        %ge3A_59 = arith.cmpi sge, %add3A_38, %ge3A : i32
        %convert_element_type3A_60 = arith.extui %ge3A_59 : i1 to i32
        %cond3A_61 = arith.constant 0 : i32
        %cond3A_62 = arith.cmpi ne, %convert_element_type3A_60, %cond3A_61 : i32
        scf.if %cond3A_62 {
          %sub3A = arith.constant 1 : i32
          %sub3A_85 = arith.subi %add3A_38, %sub3A : i32
          %mul3A_86 = arith.constant 80 : i32
          %mul3A_87 = arith.muli %sub3A_85, %mul3A_86 : i32
          %add3A_88 = arith.addi %mul3A_4, %mul3A_87 : i32
          %multiple_of3A_89 = tpu.assume_multiple %add3A_88, 8 : i32
          %dma_wait3A_90 = arith.constant 0 : i32
          %dma_wait3A_91 = arith.constant 0 : i32
          %dma_wait3A_92 = tpu.memref_slice %arg23[%dma_wait3A_90, %dma_wait3A_91] : memref<10112x128xf32, #tpu.memory_space<vmem_shared>> -> memref<10112x128xf32, #tpu.memory_space<vmem_shared>>
          tpu.wait_indirect_dma semaphore(%arg22 : memref<!tpu.dma_semaphore, #tpu.memory_space<semaphore_mem>>) src(%arg13 : memref<80x128xf32, #tpu.memory_space<vmem>>) dst(%dma_wait3A_92 : memref<10112x128xf32, #tpu.memory_space<vmem_shared>>)
        } else {
        }
        %add3A_63 = arith.constant 2 : i32
        %add3A_64 = arith.addi %add3A_38, %add3A_63 : i32
        %lt3A_65 = arith.constant 125 : i32
        %lt3A_66 = arith.cmpi slt, %add3A_64, %lt3A_65 : i32
        %convert_element_type3A_67 = arith.extui %lt3A_66 : i1 to i32
        %cond3A_68 = arith.constant 0 : i32
        %cond3A_69 = arith.cmpi ne, %convert_element_type3A_67, %cond3A_68 : i32
        scf.if %cond3A_69 {
          %mul3A_85 = arith.constant 80 : i32
          %mul3A_86 = arith.muli %add3A_64, %mul3A_85 : i32
          %add3A_87 = arith.addi %mul3A_4, %mul3A_86 : i32
          %multiple_of3A_88 = tpu.assume_multiple %add3A_87, 8 : i32
          %dma_start3A_89 = tpu.memref_slice %arg4[%multiple_of3A_88] : memref<320000xi32, #tpu.memory_space<hbm>> -> memref<80xi32, #tpu.memory_space<hbm>>
          %dma_start3A_90 = tpu.memref_slice %arg4[%multiple_of3A_88] : memref<320000xi32, #tpu.memory_space<hbm>> -> memref<80xi32, #tpu.memory_space<hbm>>
          tpu.enqueue_dma source(%dma_start3A_90 : memref<80xi32, #tpu.memory_space<hbm>>) target(%arg10 : memref<80xi32, #tpu.memory_space<vmem>>) target_semaphore(%arg19 : memref<!tpu.dma_semaphore, #tpu.memory_space<semaphore_mem>>)
          %mul3A_91 = arith.constant 80 : i32
          %mul3A_92 = arith.muli %add3A_64, %mul3A_91 : i32
          %dma_start3A_93 = tpu.memref_slice %arg7[%mul3A_92] : memref<10000xi32, #tpu.memory_space<vmem>> -> memref<80xi32, #tpu.memory_space<vmem>>
          %dma_start3A_94 = arith.constant 0 : i32
          %dma_start3A_95 = arith.constant 0 : i32
          %dma_start3A_96 = tpu.memref_slice %arg2[%dma_start3A_94, %dma_start3A_95] : memref<10000x128xf32, #tpu.memory_space<hbm>> -> memref<10000x128xf32, #tpu.memory_space<hbm>>
          tpu.enqueue_indirect_dma source(%dma_start3A_96 : memref<10000x128xf32, #tpu.memory_space<hbm>>) target(%arg13 : memref<80x128xf32, #tpu.memory_space<vmem>>) offsets(%dma_start3A_93 : memref<80xi32, #tpu.memory_space<vmem>>) semaphore(%arg16 : memref<!tpu.dma_semaphore, #tpu.memory_space<semaphore_mem>>)
        } else {
        }
        %mul3A_70 = arith.constant 80 : i32
        %mul3A_71 = arith.muli %add3A_38, %mul3A_70 : i32
        %add3A_72 = arith.addi %mul3A_4, %mul3A_71 : i32
        %multiple_of3A_73 = tpu.assume_multiple %add3A_72, 8 : i32
        %dma_wait3A_74 = tpu.memref_slice %arg4[%multiple_of3A_73] : memref<320000xi32, #tpu.memory_space<hbm>> -> memref<80xi32, #tpu.memory_space<hbm>>
        %dma_wait3A_75 = tpu.memref_slice %arg4[%multiple_of3A_73] : memref<320000xi32, #tpu.memory_space<hbm>> -> memref<80xi32, #tpu.memory_space<hbm>>
        tpu.wait_dma2 semaphore(%arg17 : memref<!tpu.dma_semaphore, #tpu.memory_space<semaphore_mem>>) src(%dma_wait3A_75 : memref<80xi32, #tpu.memory_space<hbm>>) dst(%arg8 : memref<80xi32, #tpu.memory_space<vmem>>)
        %mul3A_76 = arith.constant 80 : i32
        %mul3A_77 = arith.muli %add3A_38, %mul3A_76 : i32
        %dma_wait3A_78 = tpu.memref_slice %arg7[%mul3A_77] : memref<10000xi32, #tpu.memory_space<vmem>> -> memref<80xi32, #tpu.memory_space<vmem>>
        %dma_wait3A_79 = arith.constant 0 : i32
        %dma_wait3A_80 = arith.constant 0 : i32
        %dma_wait3A_81 = tpu.memref_slice %arg2[%dma_wait3A_79, %dma_wait3A_80] : memref<10000x128xf32, #tpu.memory_space<hbm>> -> memref<10000x128xf32, #tpu.memory_space<hbm>>
        tpu.wait_indirect_dma semaphore(%arg14 : memref<!tpu.dma_semaphore, #tpu.memory_space<semaphore_mem>>) src(%dma_wait3A_81 : memref<10000x128xf32, #tpu.memory_space<hbm>>) dst(%arg11 : memref<80x128xf32, #tpu.memory_space<vmem>>)
        %dma_start3A_82 = arith.constant 0 : i32
        %dma_start3A_83 = arith.constant 0 : i32
        %dma_start3A_84 = tpu.memref_slice %arg23[%dma_start3A_82, %dma_start3A_83] : memref<10112x128xf32, #tpu.memory_space<vmem_shared>> -> memref<10112x128xf32, #tpu.memory_space<vmem_shared>>
        tpu.enqueue_indirect_dma source(%arg11 : memref<80x128xf32, #tpu.memory_space<vmem>>) target(%dma_start3A_84 : memref<10112x128xf32, #tpu.memory_space<vmem_shared>>) offsets(%arg8 : memref<80xi32, #tpu.memory_space<vmem>>) semaphore(%arg20 : memref<!tpu.dma_semaphore, #tpu.memory_space<semaphore_mem>>) {add = true}
      } else {
      }
      %mul3A_41 = arith.constant 3 : i32
      %mul3A_42 = arith.muli %mul3A_41, %scan3A_34 : i32
      %add3A_43 = arith.constant 1 : i32
      %add3A_44 = arith.addi %mul3A_42, %add3A_43 : i32
      %lt3A_45 = arith.constant 125 : i32
      %lt3A_46 = arith.cmpi slt, %add3A_44, %lt3A_45 : i32
      %convert_element_type3A_47 = arith.extui %lt3A_46 : i1 to i32
      %cond3A_48 = arith.constant 0 : i32
      %cond3A_49 = arith.cmpi ne, %convert_element_type3A_47, %cond3A_48 : i32
      scf.if %cond3A_49 {
        %ge3A = arith.constant 1 : i32
        %ge3A_59 = arith.cmpi sge, %add3A_44, %ge3A : i32
        %convert_element_type3A_60 = arith.extui %ge3A_59 : i1 to i32
        %cond3A_61 = arith.constant 0 : i32
        %cond3A_62 = arith.cmpi ne, %convert_element_type3A_60, %cond3A_61 : i32
        scf.if %cond3A_62 {
          %sub3A = arith.constant 1 : i32
          %sub3A_85 = arith.subi %add3A_44, %sub3A : i32
          %mul3A_86 = arith.constant 80 : i32
          %mul3A_87 = arith.muli %sub3A_85, %mul3A_86 : i32
          %add3A_88 = arith.addi %mul3A_4, %mul3A_87 : i32
          %multiple_of3A_89 = tpu.assume_multiple %add3A_88, 8 : i32
          %dma_wait3A_90 = arith.constant 0 : i32
          %dma_wait3A_91 = arith.constant 0 : i32
          %dma_wait3A_92 = tpu.memref_slice %arg23[%dma_wait3A_90, %dma_wait3A_91] : memref<10112x128xf32, #tpu.memory_space<vmem_shared>> -> memref<10112x128xf32, #tpu.memory_space<vmem_shared>>
          tpu.wait_indirect_dma semaphore(%arg20 : memref<!tpu.dma_semaphore, #tpu.memory_space<semaphore_mem>>) src(%arg11 : memref<80x128xf32, #tpu.memory_space<vmem>>) dst(%dma_wait3A_92 : memref<10112x128xf32, #tpu.memory_space<vmem_shared>>)
        } else {
        }
        %add3A_63 = arith.constant 2 : i32
        %add3A_64 = arith.addi %add3A_44, %add3A_63 : i32
        %lt3A_65 = arith.constant 125 : i32
        %lt3A_66 = arith.cmpi slt, %add3A_64, %lt3A_65 : i32
        %convert_element_type3A_67 = arith.extui %lt3A_66 : i1 to i32
        %cond3A_68 = arith.constant 0 : i32
        %cond3A_69 = arith.cmpi ne, %convert_element_type3A_67, %cond3A_68 : i32
        scf.if %cond3A_69 {
          %mul3A_85 = arith.constant 80 : i32
          %mul3A_86 = arith.muli %add3A_64, %mul3A_85 : i32
          %add3A_87 = arith.addi %mul3A_4, %mul3A_86 : i32
          %multiple_of3A_88 = tpu.assume_multiple %add3A_87, 8 : i32
          %dma_start3A_89 = tpu.memref_slice %arg4[%multiple_of3A_88] : memref<320000xi32, #tpu.memory_space<hbm>> -> memref<80xi32, #tpu.memory_space<hbm>>
          %dma_start3A_90 = tpu.memref_slice %arg4[%multiple_of3A_88] : memref<320000xi32, #tpu.memory_space<hbm>> -> memref<80xi32, #tpu.memory_space<hbm>>
          tpu.enqueue_dma source(%dma_start3A_90 : memref<80xi32, #tpu.memory_space<hbm>>) target(%arg8 : memref<80xi32, #tpu.memory_space<vmem>>) target_semaphore(%arg17 : memref<!tpu.dma_semaphore, #tpu.memory_space<semaphore_mem>>)
          %mul3A_91 = arith.constant 80 : i32
          %mul3A_92 = arith.muli %add3A_64, %mul3A_91 : i32
          %dma_start3A_93 = tpu.memref_slice %arg7[%mul3A_92] : memref<10000xi32, #tpu.memory_space<vmem>> -> memref<80xi32, #tpu.memory_space<vmem>>
          %dma_start3A_94 = arith.constant 0 : i32
          %dma_start3A_95 = arith.constant 0 : i32
          %dma_start3A_96 = tpu.memref_slice %arg2[%dma_start3A_94, %dma_start3A_95] : memref<10000x128xf32, #tpu.memory_space<hbm>> -> memref<10000x128xf32, #tpu.memory_space<hbm>>
          tpu.enqueue_indirect_dma source(%dma_start3A_96 : memref<10000x128xf32, #tpu.memory_space<hbm>>) target(%arg11 : memref<80x128xf32, #tpu.memory_space<vmem>>) offsets(%dma_start3A_93 : memref<80xi32, #tpu.memory_space<vmem>>) semaphore(%arg14 : memref<!tpu.dma_semaphore, #tpu.memory_space<semaphore_mem>>)
        } else {
        }
        %mul3A_70 = arith.constant 80 : i32
        %mul3A_71 = arith.muli %add3A_44, %mul3A_70 : i32
        %add3A_72 = arith.addi %mul3A_4, %mul3A_71 : i32
        %multiple_of3A_73 = tpu.assume_multiple %add3A_72, 8 : i32
        %dma_wait3A_74 = tpu.memref_slice %arg4[%multiple_of3A_73] : memref<320000xi32, #tpu.memory_space<hbm>> -> memref<80xi32, #tpu.memory_space<hbm>>
        %dma_wait3A_75 = tpu.memref_slice %arg4[%multiple_of3A_73] : memref<320000xi32, #tpu.memory_space<hbm>> -> memref<80xi32, #tpu.memory_space<hbm>>
        tpu.wait_dma2 semaphore(%arg18 : memref<!tpu.dma_semaphore, #tpu.memory_space<semaphore_mem>>) src(%dma_wait3A_75 : memref<80xi32, #tpu.memory_space<hbm>>) dst(%arg9 : memref<80xi32, #tpu.memory_space<vmem>>)
        %mul3A_76 = arith.constant 80 : i32
        %mul3A_77 = arith.muli %add3A_44, %mul3A_76 : i32
        %dma_wait3A_78 = tpu.memref_slice %arg7[%mul3A_77] : memref<10000xi32, #tpu.memory_space<vmem>> -> memref<80xi32, #tpu.memory_space<vmem>>
        %dma_wait3A_79 = arith.constant 0 : i32
        %dma_wait3A_80 = arith.constant 0 : i32
        %dma_wait3A_81 = tpu.memref_slice %arg2[%dma_wait3A_79, %dma_wait3A_80] : memref<10000x128xf32, #tpu.memory_space<hbm>> -> memref<10000x128xf32, #tpu.memory_space<hbm>>
        tpu.wait_indirect_dma semaphore(%arg15 : memref<!tpu.dma_semaphore, #tpu.memory_space<semaphore_mem>>) src(%dma_wait3A_81 : memref<10000x128xf32, #tpu.memory_space<hbm>>) dst(%arg12 : memref<80x128xf32, #tpu.memory_space<vmem>>)
        %dma_start3A_82 = arith.constant 0 : i32
        %dma_start3A_83 = arith.constant 0 : i32
        %dma_start3A_84 = tpu.memref_slice %arg23[%dma_start3A_82, %dma_start3A_83] : memref<10112x128xf32, #tpu.memory_space<vmem_shared>> -> memref<10112x128xf32, #tpu.memory_space<vmem_shared>>
        tpu.enqueue_indirect_dma source(%arg12 : memref<80x128xf32, #tpu.memory_space<vmem>>) target(%dma_start3A_84 : memref<10112x128xf32, #tpu.memory_space<vmem_shared>>) offsets(%arg9 : memref<80xi32, #tpu.memory_space<vmem>>) semaphore(%arg21 : memref<!tpu.dma_semaphore, #tpu.memory_space<semaphore_mem>>) {add = true}
      } else {
      }
      %mul3A_50 = arith.constant 3 : i32
      %mul3A_51 = arith.muli %mul3A_50, %scan3A_34 : i32
      %add3A_52 = arith.constant 2 : i32
      %add3A_53 = arith.addi %mul3A_51, %add3A_52 : i32
      %lt3A_54 = arith.constant 125 : i32
      %lt3A_55 = arith.cmpi slt, %add3A_53, %lt3A_54 : i32
      %convert_element_type3A_56 = arith.extui %lt3A_55 : i1 to i32
      %cond3A_57 = arith.constant 0 : i32
      %cond3A_58 = arith.cmpi ne, %convert_element_type3A_56, %cond3A_57 : i32
      scf.if %cond3A_58 {
        %ge3A = arith.constant 1 : i32
        %ge3A_59 = arith.cmpi sge, %add3A_53, %ge3A : i32
        %convert_element_type3A_60 = arith.extui %ge3A_59 : i1 to i32
        %cond3A_61 = arith.constant 0 : i32
        %cond3A_62 = arith.cmpi ne, %convert_element_type3A_60, %cond3A_61 : i32
        scf.if %cond3A_62 {
          %sub3A = arith.constant 1 : i32
          %sub3A_85 = arith.subi %add3A_53, %sub3A : i32
          %mul3A_86 = arith.constant 80 : i32
          %mul3A_87 = arith.muli %sub3A_85, %mul3A_86 : i32
          %add3A_88 = arith.addi %mul3A_4, %mul3A_87 : i32
          %multiple_of3A_89 = tpu.assume_multiple %add3A_88, 8 : i32
          %dma_wait3A_90 = arith.constant 0 : i32
          %dma_wait3A_91 = arith.constant 0 : i32
          %dma_wait3A_92 = tpu.memref_slice %arg23[%dma_wait3A_90, %dma_wait3A_91] : memref<10112x128xf32, #tpu.memory_space<vmem_shared>> -> memref<10112x128xf32, #tpu.memory_space<vmem_shared>>
          tpu.wait_indirect_dma semaphore(%arg21 : memref<!tpu.dma_semaphore, #tpu.memory_space<semaphore_mem>>) src(%arg12 : memref<80x128xf32, #tpu.memory_space<vmem>>) dst(%dma_wait3A_92 : memref<10112x128xf32, #tpu.memory_space<vmem_shared>>)
        } else {
        }
        %add3A_63 = arith.constant 2 : i32
        %add3A_64 = arith.addi %add3A_53, %add3A_63 : i32
        %lt3A_65 = arith.constant 125 : i32
        %lt3A_66 = arith.cmpi slt, %add3A_64, %lt3A_65 : i32
        %convert_element_type3A_67 = arith.extui %lt3A_66 : i1 to i32
        %cond3A_68 = arith.constant 0 : i32
        %cond3A_69 = arith.cmpi ne, %convert_element_type3A_67, %cond3A_68 : i32
        scf.if %cond3A_69 {
          %mul3A_85 = arith.constant 80 : i32
          %mul3A_86 = arith.muli %add3A_64, %mul3A_85 : i32
          %add3A_87 = arith.addi %mul3A_4, %mul3A_86 : i32
          %multiple_of3A_88 = tpu.assume_multiple %add3A_87, 8 : i32
          %dma_start3A_89 = tpu.memref_slice %arg4[%multiple_of3A_88] : memref<320000xi32, #tpu.memory_space<hbm>> -> memref<80xi32, #tpu.memory_space<hbm>>
          %dma_start3A_90 = tpu.memref_slice %arg4[%multiple_of3A_88] : memref<320000xi32, #tpu.memory_space<hbm>> -> memref<80xi32, #tpu.memory_space<hbm>>
          tpu.enqueue_dma source(%dma_start3A_90 : memref<80xi32, #tpu.memory_space<hbm>>) target(%arg9 : memref<80xi32, #tpu.memory_space<vmem>>) target_semaphore(%arg18 : memref<!tpu.dma_semaphore, #tpu.memory_space<semaphore_mem>>)
          %mul3A_91 = arith.constant 80 : i32
          %mul3A_92 = arith.muli %add3A_64, %mul3A_91 : i32
          %dma_start3A_93 = tpu.memref_slice %arg7[%mul3A_92] : memref<10000xi32, #tpu.memory_space<vmem>> -> memref<80xi32, #tpu.memory_space<vmem>>
          %dma_start3A_94 = arith.constant 0 : i32
          %dma_start3A_95 = arith.constant 0 : i32
          %dma_start3A_96 = tpu.memref_slice %arg2[%dma_start3A_94, %dma_start3A_95] : memref<10000x128xf32, #tpu.memory_space<hbm>> -> memref<10000x128xf32, #tpu.memory_space<hbm>>
          tpu.enqueue_indirect_dma source(%dma_start3A_96 : memref<10000x128xf32, #tpu.memory_space<hbm>>) target(%arg12 : memref<80x128xf32, #tpu.memory_space<vmem>>) offsets(%dma_start3A_93 : memref<80xi32, #tpu.memory_space<vmem>>) semaphore(%arg15 : memref<!tpu.dma_semaphore, #tpu.memory_space<semaphore_mem>>)
        } else {
        }
        %mul3A_70 = arith.constant 80 : i32
        %mul3A_71 = arith.muli %add3A_53, %mul3A_70 : i32
        %add3A_72 = arith.addi %mul3A_4, %mul3A_71 : i32
        %multiple_of3A_73 = tpu.assume_multiple %add3A_72, 8 : i32
        %dma_wait3A_74 = tpu.memref_slice %arg4[%multiple_of3A_73] : memref<320000xi32, #tpu.memory_space<hbm>> -> memref<80xi32, #tpu.memory_space<hbm>>
        %dma_wait3A_75 = tpu.memref_slice %arg4[%multiple_of3A_73] : memref<320000xi32, #tpu.memory_space<hbm>> -> memref<80xi32, #tpu.memory_space<hbm>>
        tpu.wait_dma2 semaphore(%arg19 : memref<!tpu.dma_semaphore, #tpu.memory_space<semaphore_mem>>) src(%dma_wait3A_75 : memref<80xi32, #tpu.memory_space<hbm>>) dst(%arg10 : memref<80xi32, #tpu.memory_space<vmem>>)
        %mul3A_76 = arith.constant 80 : i32
        %mul3A_77 = arith.muli %add3A_53, %mul3A_76 : i32
        %dma_wait3A_78 = tpu.memref_slice %arg7[%mul3A_77] : memref<10000xi32, #tpu.memory_space<vmem>> -> memref<80xi32, #tpu.memory_space<vmem>>
        %dma_wait3A_79 = arith.constant 0 : i32
        %dma_wait3A_80 = arith.constant 0 : i32
        %dma_wait3A_81 = tpu.memref_slice %arg2[%dma_wait3A_79, %dma_wait3A_80] : memref<10000x128xf32, #tpu.memory_space<hbm>> -> memref<10000x128xf32, #tpu.memory_space<hbm>>
        tpu.wait_indirect_dma semaphore(%arg16 : memref<!tpu.dma_semaphore, #tpu.memory_space<semaphore_mem>>) src(%dma_wait3A_81 : memref<10000x128xf32, #tpu.memory_space<hbm>>) dst(%arg13 : memref<80x128xf32, #tpu.memory_space<vmem>>)
        %dma_start3A_82 = arith.constant 0 : i32
        %dma_start3A_83 = arith.constant 0 : i32
        %dma_start3A_84 = tpu.memref_slice %arg23[%dma_start3A_82, %dma_start3A_83] : memref<10112x128xf32, #tpu.memory_space<vmem_shared>> -> memref<10112x128xf32, #tpu.memory_space<vmem_shared>>
        tpu.enqueue_indirect_dma source(%arg13 : memref<80x128xf32, #tpu.memory_space<vmem>>) target(%dma_start3A_84 : memref<10112x128xf32, #tpu.memory_space<vmem_shared>>) offsets(%arg10 : memref<80xi32, #tpu.memory_space<vmem>>) semaphore(%arg22 : memref<!tpu.dma_semaphore, #tpu.memory_space<semaphore_mem>>) {add = true}
      } else {
      }
    }
    %scan3A_28 = arith.constant 42 : i32
    %dma_wait3A = arith.constant 0 : i32
    %dma_wait3A_29 = arith.constant 0 : i32
    %dma_wait3A_30 = tpu.memref_slice %arg23[%dma_wait3A, %dma_wait3A_29] : memref<10112x128xf32, #tpu.memory_space<vmem_shared>> -> memref<10112x128xf32, #tpu.memory_space<vmem_shared>>
    tpu.wait_indirect_dma semaphore(%arg21 : memref<!tpu.dma_semaphore, #tpu.memory_space<semaphore_mem>>) src(%arg12 : memref<80x128xf32, #tpu.memory_space<vmem>>) dst(%dma_wait3A_30 : memref<10112x128xf32, #tpu.memory_space<vmem_shared>>)
    %barrier3A_31 = arith.constant 0 : index
    tpu.barrier barrier_id(%barrier3A_31)
    %mul3A_32 = arith.constant 632 : i32
    %mul3A_33 = arith.muli %arg1, %mul3A_32 : i32
    "tpu.region"() ({
      %run_scoped3A = tpu.sem_alloc : memref<!tpu.dma_semaphore, #tpu.memory_space<semaphore_mem>>
      %dma_start3A_34 = arith.constant 0 : i32
      %dma_start3A_35 = arith.constant 0 : i32
      %dma_start3A_36 = tpu.memref_slice %arg6[%arg0, %arg1, %dma_start3A_34, %dma_start3A_35] : memref<2x16x632x128xf32, #tpu.memory_space<hbm>> -> memref<1x1x632x128xf32, #tpu.memory_space<hbm>>
      %dma_start3A_37 = tpu.memref_squeeze %dma_start3A_36 : memref<1x1x632x128xf32, #tpu.memory_space<hbm>> -> memref<632x128xf32, #tpu.memory_space<hbm>>
      %dma_start3A_38 = arith.constant 0 : i32
      %dma_start3A_39 = tpu.memref_slice %arg23[%mul3A_33, %dma_start3A_38] : memref<10112x128xf32, #tpu.memory_space<vmem_shared>> -> memref<632x128xf32, #tpu.memory_space<vmem_shared>>
      tpu.enqueue_dma source(%dma_start3A_39 : memref<632x128xf32, #tpu.memory_space<vmem_shared>>) target(%dma_start3A_37 : memref<632x128xf32, #tpu.memory_space<hbm>>) target_semaphore(%run_scoped3A : memref<!tpu.dma_semaphore, #tpu.memory_space<semaphore_mem>>)
      %dma_wait3A_40 = arith.constant 0 : i32
      %dma_wait3A_41 = arith.constant 0 : i32
      %dma_wait3A_42 = tpu.memref_slice %arg6[%arg0, %arg1, %dma_wait3A_40, %dma_wait3A_41] : memref<2x16x632x128xf32, #tpu.memory_space<hbm>> -> memref<1x1x632x128xf32, #tpu.memory_space<hbm>>
      %dma_wait3A_43 = tpu.memref_squeeze %dma_wait3A_42 : memref<1x1x632x128xf32, #tpu.memory_space<hbm>> -> memref<632x128xf32, #tpu.memory_space<hbm>>
      %dma_wait3A_44 = arith.constant 0 : i32
      %dma_wait3A_45 = tpu.memref_slice %arg23[%mul3A_33, %dma_wait3A_44] : memref<10112x128xf32, #tpu.memory_space<vmem_shared>> -> memref<632x128xf32, #tpu.memory_space<vmem_shared>>
      tpu.wait_dma2 semaphore(%run_scoped3A : memref<!tpu.dma_semaphore, #tpu.memory_space<semaphore_mem>>) src(%dma_wait3A_45 : memref<632x128xf32, #tpu.memory_space<vmem_shared>>) dst(%dma_wait3A_43 : memref<632x128xf32, #tpu.memory_space<hbm>>)
      tpu.yield
    }) : () -> ()
    return
  }
}

#map = affine_map<(d0, d1) -> (0)>
#map1 = affine_map<(d0, d1) -> (0, 0)>
#map2 = affine_map<(d0, d1) -> (0, 0, 0, 0, 0)>
module attributes {stable_mosaic.version = 14 : i64} {
  func.func @_hist_body(%arg0: i32, %arg1: i32, %arg2: memref<320000xi32, #tpu.memory_space<hbm>>, %arg3: memref<320000xi32, #tpu.memory_space<hbm>>, %arg4: memref<80x128xf32, #tpu.memory_space<hbm>>, %arg5: memref<2x2x16x80x128xf32, #tpu.memory_space<hbm>>, %arg6: memref<10000xi32, #tpu.memory_space<vmem>>, %arg7: memref<10000xi32, #tpu.memory_space<vmem>>, %arg8: memref<80x128xf32, #tpu.memory_space<vmem>>, %arg9: memref<80x128xf32, #tpu.memory_space<vmem>>) attributes {dimension_semantics = [#tpu.dimension_semantics<core_parallel>, #tpu.dimension_semantics<subcore_parallel>], iteration_bounds = array<i64: 2, 16>, scalar_prefetch = 0 : i64, scratch_operands = 4 : i64, tpu.core_type = #tpu.core_type<sc_vector_subcore>, window_params = [{transform_indices = #map}, {transform_indices = #map}, {transform_indices = #map1}, {transform_indices = #map2}]} {
    %mul3A = arith.constant 16 : i32
    %mul3A_0 = arith.muli %arg0, %mul3A : i32
    %add3A = arith.addi %mul3A_0, %arg1 : i32
    "tpu.region"() ({
      %run_scoped3A_10 = tpu.sem_alloc : memref<!tpu.dma_semaphore, #tpu.memory_space<semaphore_mem>>
      tpu.enqueue_dma source(%arg4 : memref<80x128xf32, #tpu.memory_space<hbm>>) target(%arg8 : memref<80x128xf32, #tpu.memory_space<vmem>>) target_semaphore(%run_scoped3A_10 : memref<!tpu.dma_semaphore, #tpu.memory_space<semaphore_mem>>)
      tpu.wait_dma2 semaphore(%run_scoped3A_10 : memref<!tpu.dma_semaphore, #tpu.memory_space<semaphore_mem>>) src(%arg4 : memref<80x128xf32, #tpu.memory_space<hbm>>) dst(%arg8 : memref<80x128xf32, #tpu.memory_space<vmem>>)
      tpu.yield
    }) : () -> ()
    "tpu.region"() ({
      %run_scoped3A_10 = tpu.sem_alloc : memref<!tpu.dma_semaphore, #tpu.memory_space<semaphore_mem>>
      tpu.enqueue_dma source(%arg4 : memref<80x128xf32, #tpu.memory_space<hbm>>) target(%arg9 : memref<80x128xf32, #tpu.memory_space<vmem>>) target_semaphore(%run_scoped3A_10 : memref<!tpu.dma_semaphore, #tpu.memory_space<semaphore_mem>>)
      tpu.wait_dma2 semaphore(%run_scoped3A_10 : memref<!tpu.dma_semaphore, #tpu.memory_space<semaphore_mem>>) src(%arg4 : memref<80x128xf32, #tpu.memory_space<hbm>>) dst(%arg9 : memref<80x128xf32, #tpu.memory_space<vmem>>)
      tpu.yield
    }) : () -> ()
    %mul3A_1 = arith.constant 10000 : i32
    %mul3A_2 = arith.muli %add3A, %mul3A_1 : i32
    %multiple_of3A = tpu.assume_multiple %mul3A_2, 8 : i32
    "tpu.region"() ({
      %run_scoped3A_10 = tpu.sem_alloc : memref<!tpu.dma_semaphore, #tpu.memory_space<semaphore_mem>>
      %dma_start3A = tpu.memref_slice %arg2[%multiple_of3A] : memref<320000xi32, #tpu.memory_space<hbm>> -> memref<10000xi32, #tpu.memory_space<hbm>>
      %dma_start3A_11 = tpu.memref_slice %arg2[%multiple_of3A] : memref<320000xi32, #tpu.memory_space<hbm>> -> memref<10000xi32, #tpu.memory_space<hbm>>
      tpu.enqueue_dma source(%dma_start3A_11 : memref<10000xi32, #tpu.memory_space<hbm>>) target(%arg6 : memref<10000xi32, #tpu.memory_space<vmem>>) target_semaphore(%run_scoped3A_10 : memref<!tpu.dma_semaphore, #tpu.memory_space<semaphore_mem>>)
      %dma_wait3A = tpu.memref_slice %arg2[%multiple_of3A] : memref<320000xi32, #tpu.memory_space<hbm>> -> memref<10000xi32, #tpu.memory_space<hbm>>
      %dma_wait3A_12 = tpu.memref_slice %arg2[%multiple_of3A] : memref<320000xi32, #tpu.memory_space<hbm>> -> memref<10000xi32, #tpu.memory_space<hbm>>
      tpu.wait_dma2 semaphore(%run_scoped3A_10 : memref<!tpu.dma_semaphore, #tpu.memory_space<semaphore_mem>>) src(%dma_wait3A_12 : memref<10000xi32, #tpu.memory_space<hbm>>) dst(%arg6 : memref<10000xi32, #tpu.memory_space<vmem>>)
      tpu.yield
    }) : () -> ()
    "tpu.region"() ({
      %run_scoped3A_10 = tpu.sem_alloc : memref<!tpu.dma_semaphore, #tpu.memory_space<semaphore_mem>>
      %dma_start3A = tpu.memref_slice %arg3[%multiple_of3A] : memref<320000xi32, #tpu.memory_space<hbm>> -> memref<10000xi32, #tpu.memory_space<hbm>>
      %dma_start3A_11 = tpu.memref_slice %arg3[%multiple_of3A] : memref<320000xi32, #tpu.memory_space<hbm>> -> memref<10000xi32, #tpu.memory_space<hbm>>
      tpu.enqueue_dma source(%dma_start3A_11 : memref<10000xi32, #tpu.memory_space<hbm>>) target(%arg7 : memref<10000xi32, #tpu.memory_space<vmem>>) target_semaphore(%run_scoped3A_10 : memref<!tpu.dma_semaphore, #tpu.memory_space<semaphore_mem>>)
      %dma_wait3A = tpu.memref_slice %arg3[%multiple_of3A] : memref<320000xi32, #tpu.memory_space<hbm>> -> memref<10000xi32, #tpu.memory_space<hbm>>
      %dma_wait3A_12 = tpu.memref_slice %arg3[%multiple_of3A] : memref<320000xi32, #tpu.memory_space<hbm>> -> memref<10000xi32, #tpu.memory_space<hbm>>
      tpu.wait_dma2 semaphore(%run_scoped3A_10 : memref<!tpu.dma_semaphore, #tpu.memory_space<semaphore_mem>>) src(%dma_wait3A_12 : memref<10000xi32, #tpu.memory_space<hbm>>) dst(%arg7 : memref<10000xi32, #tpu.memory_space<vmem>>)
      tpu.yield
    }) : () -> ()
    %broadcast_in_dim3A = arith.constant 1.000000e+00 : f32
    %broadcast_in_dim3A_3 = vector.broadcast %broadcast_in_dim3A : f32 to vector<16xf32>
    %scan3A = arith.constant 0 : i32
    %scan3A_4 = arith.constant 0 : i32
    %scan3A_5 = arith.constant 625 : i32
    %scan3A_6 = arith.addi %scan3A_4, %scan3A_5 : i32
    %scan3A_7 = arith.constant 1 : i32
    scf.for %scan3A_10 = %scan3A_4 to %scan3A_6 step %scan3A_7  : i32 {
      %mul3A_11 = arith.constant 16 : i32
      %mul3A_12 = arith.muli %scan3A_10, %mul3A_11 : i32
      %multiple_of3A_13 = tpu.assume_multiple %mul3A_12, 8 : i32
      %get3A = arith.index_cast %multiple_of3A_13 : i32 to index
      %get3A_14 = tpu.vector_load %arg6[%get3A] {strides = array<i32>} : memref<10000xi32, #tpu.memory_space<vmem>>, vector<16xi32>,
      %shift_right_logical3A = arith.constant 7 : i32
      %shift_right_logical3A_15 = vector.broadcast %shift_right_logical3A : i32 to vector<16xi32>
      %shift_right_logical3A_16 = arith.shrui %get3A_14, %shift_right_logical3A_15 : vector<16xi32>
      %and3A = arith.constant 127 : i32
      %and3A_17 = vector.broadcast %and3A : i32 to vector<16xi32>
      %and3A_18 = arith.andi %get3A_14, %and3A_17 : vector<16xi32>
      tpu.vector_store_idx %arg8[%shift_right_logical3A_16, %and3A_18], %broadcast_in_dim3A_3 {add = true} : memref<80x128xf32, #tpu.memory_space<vmem>>[vector<16xi32>, vector<16xi32>], vector<16xf32>,
      %get3A_19 = arith.index_cast %multiple_of3A_13 : i32 to index
      %get3A_20 = tpu.vector_load %arg7[%get3A_19] {strides = array<i32>} : memref<10000xi32, #tpu.memory_space<vmem>>, vector<16xi32>,
      %shift_right_logical3A_21 = arith.constant 7 : i32
      %shift_right_logical3A_22 = vector.broadcast %shift_right_logical3A_21 : i32 to vector<16xi32>
      %shift_right_logical3A_23 = arith.shrui %get3A_20, %shift_right_logical3A_22 : vector<16xi32>
      %and3A_24 = arith.constant 127 : i32
      %and3A_25 = vector.broadcast %and3A_24 : i32 to vector<16xi32>
      %and3A_26 = arith.andi %get3A_20, %and3A_25 : vector<16xi32>
      tpu.vector_store_idx %arg9[%shift_right_logical3A_23, %and3A_26], %broadcast_in_dim3A_3 {add = true} : memref<80x128xf32, #tpu.memory_space<vmem>>[vector<16xi32>, vector<16xi32>], vector<16xf32>,
    }
    %scan3A_8 = arith.constant 625 : i32
    %run_scoped3A = arith.constant 0 : i32
    "tpu.region"() ({
      %run_scoped3A_10 = tpu.sem_alloc : memref<!tpu.dma_semaphore, #tpu.memory_space<semaphore_mem>>
      %dma_start3A = arith.constant 0 : i32
      %dma_start3A_11 = arith.constant 0 : i32
      %dma_start3A_12 = tpu.memref_slice %arg5[%arg0, %run_scoped3A, %arg1, %dma_start3A, %dma_start3A_11] : memref<2x2x16x80x128xf32, #tpu.memory_space<hbm>> -> memref<1x1x1x80x128xf32, #tpu.memory_space<hbm>>
      %dma_start3A_13 = tpu.memref_squeeze %dma_start3A_12 : memref<1x1x1x80x128xf32, #tpu.memory_space<hbm>> -> memref<80x128xf32, #tpu.memory_space<hbm>>
      %dma_start3A_14 = arith.constant 0 : i32
      %dma_start3A_15 = arith.constant 0 : i32
      %dma_start3A_16 = tpu.memref_slice %arg5[%arg0, %run_scoped3A, %arg1, %dma_start3A_14, %dma_start3A_15] : memref<2x2x16x80x128xf32, #tpu.memory_space<hbm>> -> memref<1x1x1x80x128xf32, #tpu.memory_space<hbm>>
      %dma_start3A_17 = tpu.memref_squeeze %dma_start3A_16 : memref<1x1x1x80x128xf32, #tpu.memory_space<hbm>> -> memref<80x128xf32, #tpu.memory_space<hbm>>
      tpu.enqueue_dma source(%arg8 : memref<80x128xf32, #tpu.memory_space<vmem>>) target(%dma_start3A_17 : memref<80x128xf32, #tpu.memory_space<hbm>>) target_semaphore(%run_scoped3A_10 : memref<!tpu.dma_semaphore, #tpu.memory_space<semaphore_mem>>)
      %dma_wait3A = arith.constant 0 : i32
      %dma_wait3A_18 = arith.constant 0 : i32
      %dma_wait3A_19 = tpu.memref_slice %arg5[%arg0, %run_scoped3A, %arg1, %dma_wait3A, %dma_wait3A_18] : memref<2x2x16x80x128xf32, #tpu.memory_space<hbm>> -> memref<1x1x1x80x128xf32, #tpu.memory_space<hbm>>
      %dma_wait3A_20 = tpu.memref_squeeze %dma_wait3A_19 : memref<1x1x1x80x128xf32, #tpu.memory_space<hbm>> -> memref<80x128xf32, #tpu.memory_space<hbm>>
      %dma_wait3A_21 = arith.constant 0 : i32
      %dma_wait3A_22 = arith.constant 0 : i32
      %dma_wait3A_23 = tpu.memref_slice %arg5[%arg0, %run_scoped3A, %arg1, %dma_wait3A_21, %dma_wait3A_22] : memref<2x2x16x80x128xf32, #tpu.memory_space<hbm>> -> memref<1x1x1x80x128xf32, #tpu.memory_space<hbm>>
      %dma_wait3A_24 = tpu.memref_squeeze %dma_wait3A_23 : memref<1x1x1x80x128xf32, #tpu.memory_space<hbm>> -> memref<80x128xf32, #tpu.memory_space<hbm>>
      tpu.wait_dma2 semaphore(%run_scoped3A_10 : memref<!tpu.dma_semaphore, #tpu.memory_space<semaphore_mem>>) src(%arg8 : memref<80x128xf32, #tpu.memory_space<vmem>>) dst(%dma_wait3A_24 : memref<80x128xf32, #tpu.memory_space<hbm>>)
      tpu.yield
    }) : () -> ()
    %run_scoped3A_9 = arith.constant 1 : i32
    "tpu.region"() ({
      %run_scoped3A_10 = tpu.sem_alloc : memref<!tpu.dma_semaphore, #tpu.memory_space<semaphore_mem>>
      %dma_start3A = arith.constant 0 : i32
      %dma_start3A_11 = arith.constant 0 : i32
      %dma_start3A_12 = tpu.memref_slice %arg5[%arg0, %run_scoped3A_9, %arg1, %dma_start3A, %dma_start3A_11] : memref<2x2x16x80x128xf32, #tpu.memory_space<hbm>> -> memref<1x1x1x80x128xf32, #tpu.memory_space<hbm>>
      %dma_start3A_13 = tpu.memref_squeeze %dma_start3A_12 : memref<1x1x1x80x128xf32, #tpu.memory_space<hbm>> -> memref<80x128xf32, #tpu.memory_space<hbm>>
      %dma_start3A_14 = arith.constant 0 : i32
      %dma_start3A_15 = arith.constant 0 : i32
      %dma_start3A_16 = tpu.memref_slice %arg5[%arg0, %run_scoped3A_9, %arg1, %dma_start3A_14, %dma_start3A_15] : memref<2x2x16x80x128xf32, #tpu.memory_space<hbm>> -> memref<1x1x1x80x128xf32, #tpu.memory_space<hbm>>
      %dma_start3A_17 = tpu.memref_squeeze %dma_start3A_16 : memref<1x1x1x80x128xf32, #tpu.memory_space<hbm>> -> memref<80x128xf32, #tpu.memory_space<hbm>>
      tpu.enqueue_dma source(%arg9 : memref<80x128xf32, #tpu.memory_space<vmem>>) target(%dma_start3A_17 : memref<80x128xf32, #tpu.memory_space<hbm>>) target_semaphore(%run_scoped3A_10 : memref<!tpu.dma_semaphore, #tpu.memory_space<semaphore_mem>>)
      %dma_wait3A = arith.constant 0 : i32
      %dma_wait3A_18 = arith.constant 0 : i32
      %dma_wait3A_19 = tpu.memref_slice %arg5[%arg0, %run_scoped3A_9, %arg1, %dma_wait3A, %dma_wait3A_18] : memref<2x2x16x80x128xf32, #tpu.memory_space<hbm>> -> memref<1x1x1x80x128xf32, #tpu.memory_space<hbm>>
      %dma_wait3A_20 = tpu.memref_squeeze %dma_wait3A_19 : memref<1x1x1x80x128xf32, #tpu.memory_space<hbm>> -> memref<80x128xf32, #tpu.memory_space<hbm>>
      %dma_wait3A_21 = arith.constant 0 : i32
      %dma_wait3A_22 = arith.constant 0 : i32
      %dma_wait3A_23 = tpu.memref_slice %arg5[%arg0, %run_scoped3A_9, %arg1, %dma_wait3A_21, %dma_wait3A_22] : memref<2x2x16x80x128xf32, #tpu.memory_space<hbm>> -> memref<1x1x1x80x128xf32, #tpu.memory_space<hbm>>
      %dma_wait3A_24 = tpu.memref_squeeze %dma_wait3A_23 : memref<1x1x1x80x128xf32, #tpu.memory_space<hbm>> -> memref<80x128xf32, #tpu.memory_space<hbm>>
      tpu.wait_dma2 semaphore(%run_scoped3A_10 : memref<!tpu.dma_semaphore, #tpu.memory_space<semaphore_mem>>) src(%arg9 : memref<80x128xf32, #tpu.memory_space<vmem>>) dst(%dma_wait3A_24 : memref<80x128xf32, #tpu.memory_space<hbm>>)
      tpu.yield
    }) : () -> ()
    return
  }
}

module attributes {stable_mosaic.version = 14 : i64} {
  func.func @_finish_body(%arg0: memref<2x10112x128xf32, #tpu.memory_space<vmem>>, %arg1: memref<2x2x16x80x128xf32, #tpu.memory_space<vmem>>, %arg2: memref<128x128xf32, #tpu.memory_space<vmem>>, %arg3: memref<1x128xf32, #tpu.memory_space<vmem>>, %arg4: memref<1x128xf32, #tpu.memory_space<vmem>>, %arg5: memref<10000x128xf32, #tpu.memory_space<vmem>>) attributes {dimension_semantics = [], scalar_prefetch = 0 : i64, scratch_operands = 0 : i64, tpu.core_type = #tpu.core_type<tc>} {
    %get3A = arith.constant 0 : index
    %get3A_0 = arith.constant 0 : index
    %get3A_1 = arith.constant 0 : index
    %get3A_2 = vector.load %arg0[%get3A, %get3A_0, %get3A_1] : memref<2x10112x128xf32, #tpu.memory_space<vmem>>, vector<1x10000x128xf32>
    %get3A_3 = vector.shape_cast %get3A_2 : vector<1x10000x128xf32> to vector<10000x128xf32>
    %get3A_4 = arith.constant 1 : index
    %get3A_5 = arith.constant 0 : index
    %get3A_6 = arith.constant 0 : index
    %get3A_7 = vector.load %arg0[%get3A_4, %get3A_5, %get3A_6] : memref<2x10112x128xf32, #tpu.memory_space<vmem>>, vector<1x10000x128xf32>
    %get3A_8 = vector.shape_cast %get3A_7 : vector<1x10000x128xf32> to vector<10000x128xf32>
    %add3A = arith.addf %get3A_3, %get3A_8 : vector<10000x128xf32>
    %get3A_9 = arith.constant 0 : index
    %get3A_10 = arith.constant 1 : index
    %get3A_11 = arith.constant 0 : index
    %get3A_12 = arith.constant 0 : index
    %get3A_13 = arith.constant 0 : index
    %get3A_14 = vector.load %arg1[%get3A_9, %get3A_10, %get3A_11, %get3A_12, %get3A_13] : memref<2x2x16x80x128xf32, #tpu.memory_space<vmem>>, vector<1x1x1x80x128xf32>
    %get3A_15 = vector.shape_cast %get3A_14 : vector<1x1x1x80x128xf32> to vector<80x128xf32>
    %get3A_16 = arith.constant 0 : index
    %get3A_17 = arith.constant 1 : index
    %get3A_18 = arith.constant 1 : index
    %get3A_19 = arith.constant 0 : index
    %get3A_20 = arith.constant 0 : index
    %get3A_21 = vector.load %arg1[%get3A_16, %get3A_17, %get3A_18, %get3A_19, %get3A_20] : memref<2x2x16x80x128xf32, #tpu.memory_space<vmem>>, vector<1x1x1x80x128xf32>
    %get3A_22 = vector.shape_cast %get3A_21 : vector<1x1x1x80x128xf32> to vector<80x128xf32>
    %add3A_23 = arith.addf %get3A_15, %get3A_22 : vector<80x128xf32>
    %get3A_24 = arith.constant 0 : index
    %get3A_25 = arith.constant 1 : index
    %get3A_26 = arith.constant 2 : index
    %get3A_27 = arith.constant 0 : index
    %get3A_28 = arith.constant 0 : index
    %get3A_29 = vector.load %arg1[%get3A_24, %get3A_25, %get3A_26, %get3A_27, %get3A_28] : memref<2x2x16x80x128xf32, #tpu.memory_space<vmem>>, vector<1x1x1x80x128xf32>
    %get3A_30 = vector.shape_cast %get3A_29 : vector<1x1x1x80x128xf32> to vector<80x128xf32>
    %add3A_31 = arith.addf %add3A_23, %get3A_30 : vector<80x128xf32>
    %get3A_32 = arith.constant 0 : index
    %get3A_33 = arith.constant 1 : index
    %get3A_34 = arith.constant 3 : index
    %get3A_35 = arith.constant 0 : index
    %get3A_36 = arith.constant 0 : index
    %get3A_37 = vector.load %arg1[%get3A_32, %get3A_33, %get3A_34, %get3A_35, %get3A_36] : memref<2x2x16x80x128xf32, #tpu.memory_space<vmem>>, vector<1x1x1x80x128xf32>
    %get3A_38 = vector.shape_cast %get3A_37 : vector<1x1x1x80x128xf32> to vector<80x128xf32>
    %add3A_39 = arith.addf %add3A_31, %get3A_38 : vector<80x128xf32>
    %get3A_40 = arith.constant 0 : index
    %get3A_41 = arith.constant 1 : index
    %get3A_42 = arith.constant 4 : index
    %get3A_43 = arith.constant 0 : index
    %get3A_44 = arith.constant 0 : index
    %get3A_45 = vector.load %arg1[%get3A_40, %get3A_41, %get3A_42, %get3A_43, %get3A_44] : memref<2x2x16x80x128xf32, #tpu.memory_space<vmem>>, vector<1x1x1x80x128xf32>
    %get3A_46 = vector.shape_cast %get3A_45 : vector<1x1x1x80x128xf32> to vector<80x128xf32>
    %add3A_47 = arith.addf %add3A_39, %get3A_46 : vector<80x128xf32>
    %get3A_48 = arith.constant 0 : index
    %get3A_49 = arith.constant 1 : index
    %get3A_50 = arith.constant 5 : index
    %get3A_51 = arith.constant 0 : index
    %get3A_52 = arith.constant 0 : index
    %get3A_53 = vector.load %arg1[%get3A_48, %get3A_49, %get3A_50, %get3A_51, %get3A_52] : memref<2x2x16x80x128xf32, #tpu.memory_space<vmem>>, vector<1x1x1x80x128xf32>
    %get3A_54 = vector.shape_cast %get3A_53 : vector<1x1x1x80x128xf32> to vector<80x128xf32>
    %add3A_55 = arith.addf %add3A_47, %get3A_54 : vector<80x128xf32>
    %get3A_56 = arith.constant 0 : index
    %get3A_57 = arith.constant 1 : index
    %get3A_58 = arith.constant 6 : index
    %get3A_59 = arith.constant 0 : index
    %get3A_60 = arith.constant 0 : index
    %get3A_61 = vector.load %arg1[%get3A_56, %get3A_57, %get3A_58, %get3A_59, %get3A_60] : memref<2x2x16x80x128xf32, #tpu.memory_space<vmem>>, vector<1x1x1x80x128xf32>
    %get3A_62 = vector.shape_cast %get3A_61 : vector<1x1x1x80x128xf32> to vector<80x128xf32>
    %add3A_63 = arith.addf %add3A_55, %get3A_62 : vector<80x128xf32>
    %get3A_64 = arith.constant 0 : index
    %get3A_65 = arith.constant 1 : index
    %get3A_66 = arith.constant 7 : index
    %get3A_67 = arith.constant 0 : index
    %get3A_68 = arith.constant 0 : index
    %get3A_69 = vector.load %arg1[%get3A_64, %get3A_65, %get3A_66, %get3A_67, %get3A_68] : memref<2x2x16x80x128xf32, #tpu.memory_space<vmem>>, vector<1x1x1x80x128xf32>
    %get3A_70 = vector.shape_cast %get3A_69 : vector<1x1x1x80x128xf32> to vector<80x128xf32>
    %add3A_71 = arith.addf %add3A_63, %get3A_70 : vector<80x128xf32>
    %get3A_72 = arith.constant 0 : index
    %get3A_73 = arith.constant 1 : index
    %get3A_74 = arith.constant 8 : index
    %get3A_75 = arith.constant 0 : index
    %get3A_76 = arith.constant 0 : index
    %get3A_77 = vector.load %arg1[%get3A_72, %get3A_73, %get3A_74, %get3A_75, %get3A_76] : memref<2x2x16x80x128xf32, #tpu.memory_space<vmem>>, vector<1x1x1x80x128xf32>
    %get3A_78 = vector.shape_cast %get3A_77 : vector<1x1x1x80x128xf32> to vector<80x128xf32>
    %add3A_79 = arith.addf %add3A_71, %get3A_78 : vector<80x128xf32>
    %get3A_80 = arith.constant 0 : index
    %get3A_81 = arith.constant 1 : index
    %get3A_82 = arith.constant 9 : index
    %get3A_83 = arith.constant 0 : index
    %get3A_84 = arith.constant 0 : index
    %get3A_85 = vector.load %arg1[%get3A_80, %get3A_81, %get3A_82, %get3A_83, %get3A_84] : memref<2x2x16x80x128xf32, #tpu.memory_space<vmem>>, vector<1x1x1x80x128xf32>
    %get3A_86 = vector.shape_cast %get3A_85 : vector<1x1x1x80x128xf32> to vector<80x128xf32>
    %add3A_87 = arith.addf %add3A_79, %get3A_86 : vector<80x128xf32>
    %get3A_88 = arith.constant 0 : index
    %get3A_89 = arith.constant 1 : index
    %get3A_90 = arith.constant 10 : index
    %get3A_91 = arith.constant 0 : index
    %get3A_92 = arith.constant 0 : index
    %get3A_93 = vector.load %arg1[%get3A_88, %get3A_89, %get3A_90, %get3A_91, %get3A_92] : memref<2x2x16x80x128xf32, #tpu.memory_space<vmem>>, vector<1x1x1x80x128xf32>
    %get3A_94 = vector.shape_cast %get3A_93 : vector<1x1x1x80x128xf32> to vector<80x128xf32>
    %add3A_95 = arith.addf %add3A_87, %get3A_94 : vector<80x128xf32>
    %get3A_96 = arith.constant 0 : index
    %get3A_97 = arith.constant 1 : index
    %get3A_98 = arith.constant 11 : index
    %get3A_99 = arith.constant 0 : index
    %get3A_100 = arith.constant 0 : index
    %get3A_101 = vector.load %arg1[%get3A_96, %get3A_97, %get3A_98, %get3A_99, %get3A_100] : memref<2x2x16x80x128xf32, #tpu.memory_space<vmem>>, vector<1x1x1x80x128xf32>
    %get3A_102 = vector.shape_cast %get3A_101 : vector<1x1x1x80x128xf32> to vector<80x128xf32>
    %add3A_103 = arith.addf %add3A_95, %get3A_102 : vector<80x128xf32>
    %get3A_104 = arith.constant 0 : index
    %get3A_105 = arith.constant 1 : index
    %get3A_106 = arith.constant 12 : index
    %get3A_107 = arith.constant 0 : index
    %get3A_108 = arith.constant 0 : index
    %get3A_109 = vector.load %arg1[%get3A_104, %get3A_105, %get3A_106, %get3A_107, %get3A_108] : memref<2x2x16x80x128xf32, #tpu.memory_space<vmem>>, vector<1x1x1x80x128xf32>
    %get3A_110 = vector.shape_cast %get3A_109 : vector<1x1x1x80x128xf32> to vector<80x128xf32>
    %add3A_111 = arith.addf %add3A_103, %get3A_110 : vector<80x128xf32>
    %get3A_112 = arith.constant 0 : index
    %get3A_113 = arith.constant 1 : index
    %get3A_114 = arith.constant 13 : index
    %get3A_115 = arith.constant 0 : index
    %get3A_116 = arith.constant 0 : index
    %get3A_117 = vector.load %arg1[%get3A_112, %get3A_113, %get3A_114, %get3A_115, %get3A_116] : memref<2x2x16x80x128xf32, #tpu.memory_space<vmem>>, vector<1x1x1x80x128xf32>
    %get3A_118 = vector.shape_cast %get3A_117 : vector<1x1x1x80x128xf32> to vector<80x128xf32>
    %add3A_119 = arith.addf %add3A_111, %get3A_118 : vector<80x128xf32>
    %get3A_120 = arith.constant 0 : index
    %get3A_121 = arith.constant 1 : index
    %get3A_122 = arith.constant 14 : index
    %get3A_123 = arith.constant 0 : index
    %get3A_124 = arith.constant 0 : index
    %get3A_125 = vector.load %arg1[%get3A_120, %get3A_121, %get3A_122, %get3A_123, %get3A_124] : memref<2x2x16x80x128xf32, #tpu.memory_space<vmem>>, vector<1x1x1x80x128xf32>
    %get3A_126 = vector.shape_cast %get3A_125 : vector<1x1x1x80x128xf32> to vector<80x128xf32>
    %add3A_127 = arith.addf %add3A_119, %get3A_126 : vector<80x128xf32>
    %get3A_128 = arith.constant 0 : index
    %get3A_129 = arith.constant 1 : index
    %get3A_130 = arith.constant 15 : index
    %get3A_131 = arith.constant 0 : index
    %get3A_132 = arith.constant 0 : index
    %get3A_133 = vector.load %arg1[%get3A_128, %get3A_129, %get3A_130, %get3A_131, %get3A_132] : memref<2x2x16x80x128xf32, #tpu.memory_space<vmem>>, vector<1x1x1x80x128xf32>
    %get3A_134 = vector.shape_cast %get3A_133 : vector<1x1x1x80x128xf32> to vector<80x128xf32>
    %add3A_135 = arith.addf %add3A_127, %get3A_134 : vector<80x128xf32>
    %get3A_136 = arith.constant 1 : index
    %get3A_137 = arith.constant 1 : index
    %get3A_138 = arith.constant 0 : index
    %get3A_139 = arith.constant 0 : index
    %get3A_140 = arith.constant 0 : index
    %get3A_141 = vector.load %arg1[%get3A_136, %get3A_137, %get3A_138, %get3A_139, %get3A_140] : memref<2x2x16x80x128xf32, #tpu.memory_space<vmem>>, vector<1x1x1x80x128xf32>
    %get3A_142 = vector.shape_cast %get3A_141 : vector<1x1x1x80x128xf32> to vector<80x128xf32>
    %add3A_143 = arith.addf %add3A_135, %get3A_142 : vector<80x128xf32>
    %get3A_144 = arith.constant 1 : index
    %get3A_145 = arith.constant 1 : index
    %get3A_146 = arith.constant 1 : index
    %get3A_147 = arith.constant 0 : index
    %get3A_148 = arith.constant 0 : index
    %get3A_149 = vector.load %arg1[%get3A_144, %get3A_145, %get3A_146, %get3A_147, %get3A_148] : memref<2x2x16x80x128xf32, #tpu.memory_space<vmem>>, vector<1x1x1x80x128xf32>
    %get3A_150 = vector.shape_cast %get3A_149 : vector<1x1x1x80x128xf32> to vector<80x128xf32>
    %add3A_151 = arith.addf %add3A_143, %get3A_150 : vector<80x128xf32>
    %get3A_152 = arith.constant 1 : index
    %get3A_153 = arith.constant 1 : index
    %get3A_154 = arith.constant 2 : index
    %get3A_155 = arith.constant 0 : index
    %get3A_156 = arith.constant 0 : index
    %get3A_157 = vector.load %arg1[%get3A_152, %get3A_153, %get3A_154, %get3A_155, %get3A_156] : memref<2x2x16x80x128xf32, #tpu.memory_space<vmem>>, vector<1x1x1x80x128xf32>
    %get3A_158 = vector.shape_cast %get3A_157 : vector<1x1x1x80x128xf32> to vector<80x128xf32>
    %add3A_159 = arith.addf %add3A_151, %get3A_158 : vector<80x128xf32>
    %get3A_160 = arith.constant 1 : index
    %get3A_161 = arith.constant 1 : index
    %get3A_162 = arith.constant 3 : index
    %get3A_163 = arith.constant 0 : index
    %get3A_164 = arith.constant 0 : index
    %get3A_165 = vector.load %arg1[%get3A_160, %get3A_161, %get3A_162, %get3A_163, %get3A_164] : memref<2x2x16x80x128xf32, #tpu.memory_space<vmem>>, vector<1x1x1x80x128xf32>
    %get3A_166 = vector.shape_cast %get3A_165 : vector<1x1x1x80x128xf32> to vector<80x128xf32>
    %add3A_167 = arith.addf %add3A_159, %get3A_166 : vector<80x128xf32>
    %get3A_168 = arith.constant 1 : index
    %get3A_169 = arith.constant 1 : index
    %get3A_170 = arith.constant 4 : index
    %get3A_171 = arith.constant 0 : index
    %get3A_172 = arith.constant 0 : index
    %get3A_173 = vector.load %arg1[%get3A_168, %get3A_169, %get3A_170, %get3A_171, %get3A_172] : memref<2x2x16x80x128xf32, #tpu.memory_space<vmem>>, vector<1x1x1x80x128xf32>
    %get3A_174 = vector.shape_cast %get3A_173 : vector<1x1x1x80x128xf32> to vector<80x128xf32>
    %add3A_175 = arith.addf %add3A_167, %get3A_174 : vector<80x128xf32>
    %get3A_176 = arith.constant 1 : index
    %get3A_177 = arith.constant 1 : index
    %get3A_178 = arith.constant 5 : index
    %get3A_179 = arith.constant 0 : index
    %get3A_180 = arith.constant 0 : index
    %get3A_181 = vector.load %arg1[%get3A_176, %get3A_177, %get3A_178, %get3A_179, %get3A_180] : memref<2x2x16x80x128xf32, #tpu.memory_space<vmem>>, vector<1x1x1x80x128xf32>
    %get3A_182 = vector.shape_cast %get3A_181 : vector<1x1x1x80x128xf32> to vector<80x128xf32>
    %add3A_183 = arith.addf %add3A_175, %get3A_182 : vector<80x128xf32>
    %get3A_184 = arith.constant 1 : index
    %get3A_185 = arith.constant 1 : index
    %get3A_186 = arith.constant 6 : index
    %get3A_187 = arith.constant 0 : index
    %get3A_188 = arith.constant 0 : index
    %get3A_189 = vector.load %arg1[%get3A_184, %get3A_185, %get3A_186, %get3A_187, %get3A_188] : memref<2x2x16x80x128xf32, #tpu.memory_space<vmem>>, vector<1x1x1x80x128xf32>
    %get3A_190 = vector.shape_cast %get3A_189 : vector<1x1x1x80x128xf32> to vector<80x128xf32>
    %add3A_191 = arith.addf %add3A_183, %get3A_190 : vector<80x128xf32>
    %get3A_192 = arith.constant 1 : index
    %get3A_193 = arith.constant 1 : index
    %get3A_194 = arith.constant 7 : index
    %get3A_195 = arith.constant 0 : index
    %get3A_196 = arith.constant 0 : index
    %get3A_197 = vector.load %arg1[%get3A_192, %get3A_193, %get3A_194, %get3A_195, %get3A_196] : memref<2x2x16x80x128xf32, #tpu.memory_space<vmem>>, vector<1x1x1x80x128xf32>
    %get3A_198 = vector.shape_cast %get3A_197 : vector<1x1x1x80x128xf32> to vector<80x128xf32>
    %add3A_199 = arith.addf %add3A_191, %get3A_198 : vector<80x128xf32>
    %get3A_200 = arith.constant 1 : index
    %get3A_201 = arith.constant 1 : index
    %get3A_202 = arith.constant 8 : index
    %get3A_203 = arith.constant 0 : index
    %get3A_204 = arith.constant 0 : index
    %get3A_205 = vector.load %arg1[%get3A_200, %get3A_201, %get3A_202, %get3A_203, %get3A_204] : memref<2x2x16x80x128xf32, #tpu.memory_space<vmem>>, vector<1x1x1x80x128xf32>
    %get3A_206 = vector.shape_cast %get3A_205 : vector<1x1x1x80x128xf32> to vector<80x128xf32>
    %add3A_207 = arith.addf %add3A_199, %get3A_206 : vector<80x128xf32>
    %get3A_208 = arith.constant 1 : index
    %get3A_209 = arith.constant 1 : index
    %get3A_210 = arith.constant 9 : index
    %get3A_211 = arith.constant 0 : index
    %get3A_212 = arith.constant 0 : index
    %get3A_213 = vector.load %arg1[%get3A_208, %get3A_209, %get3A_210, %get3A_211, %get3A_212] : memref<2x2x16x80x128xf32, #tpu.memory_space<vmem>>, vector<1x1x1x80x128xf32>
    %get3A_214 = vector.shape_cast %get3A_213 : vector<1x1x1x80x128xf32> to vector<80x128xf32>
    %add3A_215 = arith.addf %add3A_207, %get3A_214 : vector<80x128xf32>
    %get3A_216 = arith.constant 1 : index
    %get3A_217 = arith.constant 1 : index
    %get3A_218 = arith.constant 10 : index
    %get3A_219 = arith.constant 0 : index
    %get3A_220 = arith.constant 0 : index
    %get3A_221 = vector.load %arg1[%get3A_216, %get3A_217, %get3A_218, %get3A_219, %get3A_220] : memref<2x2x16x80x128xf32, #tpu.memory_space<vmem>>, vector<1x1x1x80x128xf32>
    %get3A_222 = vector.shape_cast %get3A_221 : vector<1x1x1x80x128xf32> to vector<80x128xf32>
    %add3A_223 = arith.addf %add3A_215, %get3A_222 : vector<80x128xf32>
    %get3A_224 = arith.constant 1 : index
    %get3A_225 = arith.constant 1 : index
    %get3A_226 = arith.constant 11 : index
    %get3A_227 = arith.constant 0 : index
    %get3A_228 = arith.constant 0 : index
    %get3A_229 = vector.load %arg1[%get3A_224, %get3A_225, %get3A_226, %get3A_227, %get3A_228] : memref<2x2x16x80x128xf32, #tpu.memory_space<vmem>>, vector<1x1x1x80x128xf32>
    %get3A_230 = vector.shape_cast %get3A_229 : vector<1x1x1x80x128xf32> to vector<80x128xf32>
    %add3A_231 = arith.addf %add3A_223, %get3A_230 : vector<80x128xf32>
    %get3A_232 = arith.constant 1 : index
    %get3A_233 = arith.constant 1 : index
    %get3A_234 = arith.constant 12 : index
    %get3A_235 = arith.constant 0 : index
    %get3A_236 = arith.constant 0 : index
    %get3A_237 = vector.load %arg1[%get3A_232, %get3A_233, %get3A_234, %get3A_235, %get3A_236] : memref<2x2x16x80x128xf32, #tpu.memory_space<vmem>>, vector<1x1x1x80x128xf32>
    %get3A_238 = vector.shape_cast %get3A_237 : vector<1x1x1x80x128xf32> to vector<80x128xf32>
    %add3A_239 = arith.addf %add3A_231, %get3A_238 : vector<80x128xf32>
    %get3A_240 = arith.constant 1 : index
    %get3A_241 = arith.constant 1 : index
    %get3A_242 = arith.constant 13 : index
    %get3A_243 = arith.constant 0 : index
    %get3A_244 = arith.constant 0 : index
    %get3A_245 = vector.load %arg1[%get3A_240, %get3A_241, %get3A_242, %get3A_243, %get3A_244] : memref<2x2x16x80x128xf32, #tpu.memory_space<vmem>>, vector<1x1x1x80x128xf32>
    %get3A_246 = vector.shape_cast %get3A_245 : vector<1x1x1x80x128xf32> to vector<80x128xf32>
    %add3A_247 = arith.addf %add3A_239, %get3A_246 : vector<80x128xf32>
    %get3A_248 = arith.constant 1 : index
    %get3A_249 = arith.constant 1 : index
    %get3A_250 = arith.constant 14 : index
    %get3A_251 = arith.constant 0 : index
    %get3A_252 = arith.constant 0 : index
    %get3A_253 = vector.load %arg1[%get3A_248, %get3A_249, %get3A_250, %get3A_251, %get3A_252] : memref<2x2x16x80x128xf32, #tpu.memory_space<vmem>>, vector<1x1x1x80x128xf32>
    %get3A_254 = vector.shape_cast %get3A_253 : vector<1x1x1x80x128xf32> to vector<80x128xf32>
    %add3A_255 = arith.addf %add3A_247, %get3A_254 : vector<80x128xf32>
    %get3A_256 = arith.constant 1 : index
    %get3A_257 = arith.constant 1 : index
    %get3A_258 = arith.constant 15 : index
    %get3A_259 = arith.constant 0 : index
    %get3A_260 = arith.constant 0 : index
    %get3A_261 = vector.load %arg1[%get3A_256, %get3A_257, %get3A_258, %get3A_259, %get3A_260] : memref<2x2x16x80x128xf32, #tpu.memory_space<vmem>>, vector<1x1x1x80x128xf32>
    %get3A_262 = vector.shape_cast %get3A_261 : vector<1x1x1x80x128xf32> to vector<80x128xf32>
    %add3A_263 = arith.addf %add3A_255, %get3A_262 : vector<80x128xf32>
    %max3A = arith.constant 1.000000e+00 : f32
    %max3A_264 = vector.broadcast %max3A : f32 to vector<80x128xf32>
    %max3A_265 = arith.maximumf %add3A_263, %max3A_264 : vector<80x128xf32>
    %broadcast_in_dim3A = vector.shape_cast %max3A_265 : vector<80x128xf32> to vector<80x128x1xf32>
    %broadcast_in_dim3A_266 = vector.shape_cast %broadcast_in_dim3A : vector<80x128x1xf32> to vector<80x128x1xf32>
    %broadcast_in_dim3A_267 = vector.broadcast %broadcast_in_dim3A_266 : vector<80x128x1xf32> to vector<80x128x128xf32>
    %reshape3A = vector.shape_cast %broadcast_in_dim3A_267 : vector<80x128x128xf32> to vector<10240x128xf32>
    %slice3A = vector.extract_strided_slice %reshape3A {offsets = [0, 0], sizes = [10000, 128], strides = [1, 1]} : vector<10240x128xf32> to vector<10000x128xf32>
    %rsqrt3A = math.rsqrt %slice3A : vector<10000x128xf32>
    %mul3A = arith.mulf %add3A, %rsqrt3A : vector<10000x128xf32>
    %get3A_268 = arith.constant 0 : index
    %get3A_269 = arith.constant 0 : index
    %get3A_270 = vector.load %arg2[%get3A_268, %get3A_269] : memref<128x128xf32, #tpu.memory_space<vmem>>, vector<128x128xf32>
    %dot_general3A = arith.constant dense<0.000000e+00> : vector<10000x128xf32>
    %dot_general3A_271 = tpu.matmul %mul3A, %get3A_270, %dot_general3A {dimension_numbers = #tpu.dot_dimension_numbers<[1], [0], [0], [1], [0, 0, 1, 1], [], []>, transpose_lhs_hint = false} : vector<10000x128xf32>, vector<128x128xf32>, vector<10000x128xf32> -> vector<10000x128xf32>
    %reduce_sum3A = arith.constant dense<0.000000e+00> : vector<128xf32>
    %reduce_sum3A_272 = vector.multi_reduction <add>, %dot_general3A_271, %reduce_sum3A [0] : vector<10000x128xf32> to vector<128xf32>
    %broadcast_in_dim3A_273 = vector.shape_cast %reduce_sum3A_272 : vector<128xf32> to vector<1x128xf32>
    %div3A = arith.constant 1.000000e+04 : f32
    %div3A_274 = vector.broadcast %div3A : f32 to vector<1x128xf32>
    %div3A_275 = arith.divf %broadcast_in_dim3A_273, %div3A_274 : vector<1x128xf32>
    %sub3A = vector.broadcast %div3A_275 : vector<1x128xf32> to vector<10000x128xf32>
    %sub3A_276 = arith.subf %dot_general3A_271, %sub3A : vector<10000x128xf32>
    %integer_pow3A = arith.mulf %sub3A_276, %sub3A_276 : vector<10000x128xf32>
    %reduce_sum3A_277 = arith.constant dense<0.000000e+00> : vector<128xf32>
    %reduce_sum3A_278 = vector.multi_reduction <add>, %integer_pow3A, %reduce_sum3A_277 [0] : vector<10000x128xf32> to vector<128xf32>
    %broadcast_in_dim3A_279 = vector.shape_cast %reduce_sum3A_278 : vector<128xf32> to vector<1x128xf32>
    %div3A_280 = arith.constant 1.000000e+04 : f32
    %div3A_281 = vector.broadcast %div3A_280 : f32 to vector<1x128xf32>
    %div3A_282 = arith.divf %broadcast_in_dim3A_279, %div3A_281 : vector<1x128xf32>
    %sub3A_283 = vector.broadcast %div3A_275 : vector<1x128xf32> to vector<10000x128xf32>
    %sub3A_284 = arith.subf %dot_general3A_271, %sub3A_283 : vector<10000x128xf32>
    %add3A_285 = arith.constant 9.99999974E-6 : f32
    %add3A_286 = vector.broadcast %add3A_285 : f32 to vector<1x128xf32>
    %add3A_287 = arith.addf %div3A_282, %add3A_286 : vector<1x128xf32>
    %rsqrt3A_288 = math.rsqrt %add3A_287 : vector<1x128xf32>
    %mul3A_289 = vector.broadcast %rsqrt3A_288 : vector<1x128xf32> to vector<10000x128xf32>
    %mul3A_290 = arith.mulf %sub3A_284, %mul3A_289 : vector<10000x128xf32>
    %get3A_291 = arith.constant 0 : index
    %get3A_292 = arith.constant 0 : index
    %get3A_293 = vector.load %arg3[%get3A_291, %get3A_292] : memref<1x128xf32, #tpu.memory_space<vmem>>, vector<1x128xf32>
    %mul3A_294 = vector.broadcast %get3A_293 : vector<1x128xf32> to vector<10000x128xf32>
    %mul3A_295 = arith.mulf %mul3A_290, %mul3A_294 : vector<10000x128xf32>
    %get3A_296 = arith.constant 0 : index
    %get3A_297 = arith.constant 0 : index
    %get3A_298 = vector.load %arg4[%get3A_296, %get3A_297] : memref<1x128xf32, #tpu.memory_space<vmem>>, vector<1x128xf32>
    %add3A_299 = vector.broadcast %get3A_298 : vector<1x128xf32> to vector<10000x128xf32>
    %add3A_300 = arith.addf %mul3A_295, %add3A_299 : vector<10000x128xf32>
    %swap3A = arith.constant 0 : index
    %swap3A_301 = arith.constant 0 : index
    %swap3A_302 = vector.load %arg5[%swap3A, %swap3A_301] : memref<10000x128xf32, #tpu.memory_space<vmem>>, vector<10000x128xf32>
    tpu.vector_store %arg5[%swap3A, %swap3A_301], %add3A_300 {strides = array<i32>} : memref<10000x128xf32, #tpu.memory_space<vmem>>, vector<10000x128xf32>,
    return
  }
}

module attributes {stable_mosaic.version = 14 : i64} {
  func.func @_prep_body(%arg0: memref<10000x128xf32, #tpu.memory_space<vmem>>, %arg1: memref<2x2x16x80x128xf32, #tpu.memory_space<vmem>>, %arg2: memref<10000x128xf32, #tpu.memory_space<vmem>>) attributes {dimension_semantics = [], scalar_prefetch = 0 : i64, scratch_operands = 0 : i64, tpu.core_type = #tpu.core_type<tc>} {
    %get3A = arith.constant 0 : index
    %get3A_0 = arith.constant 0 : index
    %get3A_1 = vector.load %arg0[%get3A, %get3A_0] : memref<10000x128xf32, #tpu.memory_space<vmem>>, vector<10000x128xf32>
    %get3A_2 = arith.constant 0 : index
    %get3A_3 = arith.constant 0 : index
    %get3A_4 = arith.constant 0 : index
    %get3A_5 = arith.constant 0 : index
    %get3A_6 = arith.constant 0 : index
    %get3A_7 = vector.load %arg1[%get3A_2, %get3A_3, %get3A_4, %get3A_5, %get3A_6] : memref<2x2x16x80x128xf32, #tpu.memory_space<vmem>>, vector<1x1x1x80x128xf32>
    %get3A_8 = vector.shape_cast %get3A_7 : vector<1x1x1x80x128xf32> to vector<80x128xf32>
    %get3A_9 = arith.constant 0 : index
    %get3A_10 = arith.constant 0 : index
    %get3A_11 = arith.constant 1 : index
    %get3A_12 = arith.constant 0 : index
    %get3A_13 = arith.constant 0 : index
    %get3A_14 = vector.load %arg1[%get3A_9, %get3A_10, %get3A_11, %get3A_12, %get3A_13] : memref<2x2x16x80x128xf32, #tpu.memory_space<vmem>>, vector<1x1x1x80x128xf32>
    %get3A_15 = vector.shape_cast %get3A_14 : vector<1x1x1x80x128xf32> to vector<80x128xf32>
    %add3A = arith.addf %get3A_8, %get3A_15 : vector<80x128xf32>
    %get3A_16 = arith.constant 0 : index
    %get3A_17 = arith.constant 0 : index
    %get3A_18 = arith.constant 2 : index
    %get3A_19 = arith.constant 0 : index
    %get3A_20 = arith.constant 0 : index
    %get3A_21 = vector.load %arg1[%get3A_16, %get3A_17, %get3A_18, %get3A_19, %get3A_20] : memref<2x2x16x80x128xf32, #tpu.memory_space<vmem>>, vector<1x1x1x80x128xf32>
    %get3A_22 = vector.shape_cast %get3A_21 : vector<1x1x1x80x128xf32> to vector<80x128xf32>
    %add3A_23 = arith.addf %add3A, %get3A_22 : vector<80x128xf32>
    %get3A_24 = arith.constant 0 : index
    %get3A_25 = arith.constant 0 : index
    %get3A_26 = arith.constant 3 : index
    %get3A_27 = arith.constant 0 : index
    %get3A_28 = arith.constant 0 : index
    %get3A_29 = vector.load %arg1[%get3A_24, %get3A_25, %get3A_26, %get3A_27, %get3A_28] : memref<2x2x16x80x128xf32, #tpu.memory_space<vmem>>, vector<1x1x1x80x128xf32>
    %get3A_30 = vector.shape_cast %get3A_29 : vector<1x1x1x80x128xf32> to vector<80x128xf32>
    %add3A_31 = arith.addf %add3A_23, %get3A_30 : vector<80x128xf32>
    %get3A_32 = arith.constant 0 : index
    %get3A_33 = arith.constant 0 : index
    %get3A_34 = arith.constant 4 : index
    %get3A_35 = arith.constant 0 : index
    %get3A_36 = arith.constant 0 : index
    %get3A_37 = vector.load %arg1[%get3A_32, %get3A_33, %get3A_34, %get3A_35, %get3A_36] : memref<2x2x16x80x128xf32, #tpu.memory_space<vmem>>, vector<1x1x1x80x128xf32>
    %get3A_38 = vector.shape_cast %get3A_37 : vector<1x1x1x80x128xf32> to vector<80x128xf32>
    %add3A_39 = arith.addf %add3A_31, %get3A_38 : vector<80x128xf32>
    %get3A_40 = arith.constant 0 : index
    %get3A_41 = arith.constant 0 : index
    %get3A_42 = arith.constant 5 : index
    %get3A_43 = arith.constant 0 : index
    %get3A_44 = arith.constant 0 : index
    %get3A_45 = vector.load %arg1[%get3A_40, %get3A_41, %get3A_42, %get3A_43, %get3A_44] : memref<2x2x16x80x128xf32, #tpu.memory_space<vmem>>, vector<1x1x1x80x128xf32>
    %get3A_46 = vector.shape_cast %get3A_45 : vector<1x1x1x80x128xf32> to vector<80x128xf32>
    %add3A_47 = arith.addf %add3A_39, %get3A_46 : vector<80x128xf32>
    %get3A_48 = arith.constant 0 : index
    %get3A_49 = arith.constant 0 : index
    %get3A_50 = arith.constant 6 : index
    %get3A_51 = arith.constant 0 : index
    %get3A_52 = arith.constant 0 : index
    %get3A_53 = vector.load %arg1[%get3A_48, %get3A_49, %get3A_50, %get3A_51, %get3A_52] : memref<2x2x16x80x128xf32, #tpu.memory_space<vmem>>, vector<1x1x1x80x128xf32>
    %get3A_54 = vector.shape_cast %get3A_53 : vector<1x1x1x80x128xf32> to vector<80x128xf32>
    %add3A_55 = arith.addf %add3A_47, %get3A_54 : vector<80x128xf32>
    %get3A_56 = arith.constant 0 : index
    %get3A_57 = arith.constant 0 : index
    %get3A_58 = arith.constant 7 : index
    %get3A_59 = arith.constant 0 : index
    %get3A_60 = arith.constant 0 : index
    %get3A_61 = vector.load %arg1[%get3A_56, %get3A_57, %get3A_58, %get3A_59, %get3A_60] : memref<2x2x16x80x128xf32, #tpu.memory_space<vmem>>, vector<1x1x1x80x128xf32>
    %get3A_62 = vector.shape_cast %get3A_61 : vector<1x1x1x80x128xf32> to vector<80x128xf32>
    %add3A_63 = arith.addf %add3A_55, %get3A_62 : vector<80x128xf32>
    %get3A_64 = arith.constant 0 : index
    %get3A_65 = arith.constant 0 : index
    %get3A_66 = arith.constant 8 : index
    %get3A_67 = arith.constant 0 : index
    %get3A_68 = arith.constant 0 : index
    %get3A_69 = vector.load %arg1[%get3A_64, %get3A_65, %get3A_66, %get3A_67, %get3A_68] : memref<2x2x16x80x128xf32, #tpu.memory_space<vmem>>, vector<1x1x1x80x128xf32>
    %get3A_70 = vector.shape_cast %get3A_69 : vector<1x1x1x80x128xf32> to vector<80x128xf32>
    %add3A_71 = arith.addf %add3A_63, %get3A_70 : vector<80x128xf32>
    %get3A_72 = arith.constant 0 : index
    %get3A_73 = arith.constant 0 : index
    %get3A_74 = arith.constant 9 : index
    %get3A_75 = arith.constant 0 : index
    %get3A_76 = arith.constant 0 : index
    %get3A_77 = vector.load %arg1[%get3A_72, %get3A_73, %get3A_74, %get3A_75, %get3A_76] : memref<2x2x16x80x128xf32, #tpu.memory_space<vmem>>, vector<1x1x1x80x128xf32>
    %get3A_78 = vector.shape_cast %get3A_77 : vector<1x1x1x80x128xf32> to vector<80x128xf32>
    %add3A_79 = arith.addf %add3A_71, %get3A_78 : vector<80x128xf32>
    %get3A_80 = arith.constant 0 : index
    %get3A_81 = arith.constant 0 : index
    %get3A_82 = arith.constant 10 : index
    %get3A_83 = arith.constant 0 : index
    %get3A_84 = arith.constant 0 : index
    %get3A_85 = vector.load %arg1[%get3A_80, %get3A_81, %get3A_82, %get3A_83, %get3A_84] : memref<2x2x16x80x128xf32, #tpu.memory_space<vmem>>, vector<1x1x1x80x128xf32>
    %get3A_86 = vector.shape_cast %get3A_85 : vector<1x1x1x80x128xf32> to vector<80x128xf32>
    %add3A_87 = arith.addf %add3A_79, %get3A_86 : vector<80x128xf32>
    %get3A_88 = arith.constant 0 : index
    %get3A_89 = arith.constant 0 : index
    %get3A_90 = arith.constant 11 : index
    %get3A_91 = arith.constant 0 : index
    %get3A_92 = arith.constant 0 : index
    %get3A_93 = vector.load %arg1[%get3A_88, %get3A_89, %get3A_90, %get3A_91, %get3A_92] : memref<2x2x16x80x128xf32, #tpu.memory_space<vmem>>, vector<1x1x1x80x128xf32>
    %get3A_94 = vector.shape_cast %get3A_93 : vector<1x1x1x80x128xf32> to vector<80x128xf32>
    %add3A_95 = arith.addf %add3A_87, %get3A_94 : vector<80x128xf32>
    %get3A_96 = arith.constant 0 : index
    %get3A_97 = arith.constant 0 : index
    %get3A_98 = arith.constant 12 : index
    %get3A_99 = arith.constant 0 : index
    %get3A_100 = arith.constant 0 : index
    %get3A_101 = vector.load %arg1[%get3A_96, %get3A_97, %get3A_98, %get3A_99, %get3A_100] : memref<2x2x16x80x128xf32, #tpu.memory_space<vmem>>, vector<1x1x1x80x128xf32>
    %get3A_102 = vector.shape_cast %get3A_101 : vector<1x1x1x80x128xf32> to vector<80x128xf32>
    %add3A_103 = arith.addf %add3A_95, %get3A_102 : vector<80x128xf32>
    %get3A_104 = arith.constant 0 : index
    %get3A_105 = arith.constant 0 : index
    %get3A_106 = arith.constant 13 : index
    %get3A_107 = arith.constant 0 : index
    %get3A_108 = arith.constant 0 : index
    %get3A_109 = vector.load %arg1[%get3A_104, %get3A_105, %get3A_106, %get3A_107, %get3A_108] : memref<2x2x16x80x128xf32, #tpu.memory_space<vmem>>, vector<1x1x1x80x128xf32>
    %get3A_110 = vector.shape_cast %get3A_109 : vector<1x1x1x80x128xf32> to vector<80x128xf32>
    %add3A_111 = arith.addf %add3A_103, %get3A_110 : vector<80x128xf32>
    %get3A_112 = arith.constant 0 : index
    %get3A_113 = arith.constant 0 : index
    %get3A_114 = arith.constant 14 : index
    %get3A_115 = arith.constant 0 : index
    %get3A_116 = arith.constant 0 : index
    %get3A_117 = vector.load %arg1[%get3A_112, %get3A_113, %get3A_114, %get3A_115, %get3A_116] : memref<2x2x16x80x128xf32, #tpu.memory_space<vmem>>, vector<1x1x1x80x128xf32>
    %get3A_118 = vector.shape_cast %get3A_117 : vector<1x1x1x80x128xf32> to vector<80x128xf32>
    %add3A_119 = arith.addf %add3A_111, %get3A_118 : vector<80x128xf32>
    %get3A_120 = arith.constant 0 : index
    %get3A_121 = arith.constant 0 : index
    %get3A_122 = arith.constant 15 : index
    %get3A_123 = arith.constant 0 : index
    %get3A_124 = arith.constant 0 : index
    %get3A_125 = vector.load %arg1[%get3A_120, %get3A_121, %get3A_122, %get3A_123, %get3A_124] : memref<2x2x16x80x128xf32, #tpu.memory_space<vmem>>, vector<1x1x1x80x128xf32>
    %get3A_126 = vector.shape_cast %get3A_125 : vector<1x1x1x80x128xf32> to vector<80x128xf32>
    %add3A_127 = arith.addf %add3A_119, %get3A_126 : vector<80x128xf32>
    %get3A_128 = arith.constant 1 : index
    %get3A_129 = arith.constant 0 : index
    %get3A_130 = arith.constant 0 : index
    %get3A_131 = arith.constant 0 : index
    %get3A_132 = arith.constant 0 : index
    %get3A_133 = vector.load %arg1[%get3A_128, %get3A_129, %get3A_130, %get3A_131, %get3A_132] : memref<2x2x16x80x128xf32, #tpu.memory_space<vmem>>, vector<1x1x1x80x128xf32>
    %get3A_134 = vector.shape_cast %get3A_133 : vector<1x1x1x80x128xf32> to vector<80x128xf32>
    %add3A_135 = arith.addf %add3A_127, %get3A_134 : vector<80x128xf32>
    %get3A_136 = arith.constant 1 : index
    %get3A_137 = arith.constant 0 : index
    %get3A_138 = arith.constant 1 : index
    %get3A_139 = arith.constant 0 : index
    %get3A_140 = arith.constant 0 : index
    %get3A_141 = vector.load %arg1[%get3A_136, %get3A_137, %get3A_138, %get3A_139, %get3A_140] : memref<2x2x16x80x128xf32, #tpu.memory_space<vmem>>, vector<1x1x1x80x128xf32>
    %get3A_142 = vector.shape_cast %get3A_141 : vector<1x1x1x80x128xf32> to vector<80x128xf32>
    %add3A_143 = arith.addf %add3A_135, %get3A_142 : vector<80x128xf32>
    %get3A_144 = arith.constant 1 : index
    %get3A_145 = arith.constant 0 : index
    %get3A_146 = arith.constant 2 : index
    %get3A_147 = arith.constant 0 : index
    %get3A_148 = arith.constant 0 : index
    %get3A_149 = vector.load %arg1[%get3A_144, %get3A_145, %get3A_146, %get3A_147, %get3A_148] : memref<2x2x16x80x128xf32, #tpu.memory_space<vmem>>, vector<1x1x1x80x128xf32>
    %get3A_150 = vector.shape_cast %get3A_149 : vector<1x1x1x80x128xf32> to vector<80x128xf32>
    %add3A_151 = arith.addf %add3A_143, %get3A_150 : vector<80x128xf32>
    %get3A_152 = arith.constant 1 : index
    %get3A_153 = arith.constant 0 : index
    %get3A_154 = arith.constant 3 : index
    %get3A_155 = arith.constant 0 : index
    %get3A_156 = arith.constant 0 : index
    %get3A_157 = vector.load %arg1[%get3A_152, %get3A_153, %get3A_154, %get3A_155, %get3A_156] : memref<2x2x16x80x128xf32, #tpu.memory_space<vmem>>, vector<1x1x1x80x128xf32>
    %get3A_158 = vector.shape_cast %get3A_157 : vector<1x1x1x80x128xf32> to vector<80x128xf32>
    %add3A_159 = arith.addf %add3A_151, %get3A_158 : vector<80x128xf32>
    %get3A_160 = arith.constant 1 : index
    %get3A_161 = arith.constant 0 : index
    %get3A_162 = arith.constant 4 : index
    %get3A_163 = arith.constant 0 : index
    %get3A_164 = arith.constant 0 : index
    %get3A_165 = vector.load %arg1[%get3A_160, %get3A_161, %get3A_162, %get3A_163, %get3A_164] : memref<2x2x16x80x128xf32, #tpu.memory_space<vmem>>, vector<1x1x1x80x128xf32>
    %get3A_166 = vector.shape_cast %get3A_165 : vector<1x1x1x80x128xf32> to vector<80x128xf32>
    %add3A_167 = arith.addf %add3A_159, %get3A_166 : vector<80x128xf32>
    %get3A_168 = arith.constant 1 : index
    %get3A_169 = arith.constant 0 : index
    %get3A_170 = arith.constant 5 : index
    %get3A_171 = arith.constant 0 : index
    %get3A_172 = arith.constant 0 : index
    %get3A_173 = vector.load %arg1[%get3A_168, %get3A_169, %get3A_170, %get3A_171, %get3A_172] : memref<2x2x16x80x128xf32, #tpu.memory_space<vmem>>, vector<1x1x1x80x128xf32>
    %get3A_174 = vector.shape_cast %get3A_173 : vector<1x1x1x80x128xf32> to vector<80x128xf32>
    %add3A_175 = arith.addf %add3A_167, %get3A_174 : vector<80x128xf32>
    %get3A_176 = arith.constant 1 : index
    %get3A_177 = arith.constant 0 : index
    %get3A_178 = arith.constant 6 : index
    %get3A_179 = arith.constant 0 : index
    %get3A_180 = arith.constant 0 : index
    %get3A_181 = vector.load %arg1[%get3A_176, %get3A_177, %get3A_178, %get3A_179, %get3A_180] : memref<2x2x16x80x128xf32, #tpu.memory_space<vmem>>, vector<1x1x1x80x128xf32>
    %get3A_182 = vector.shape_cast %get3A_181 : vector<1x1x1x80x128xf32> to vector<80x128xf32>
    %add3A_183 = arith.addf %add3A_175, %get3A_182 : vector<80x128xf32>
    %get3A_184 = arith.constant 1 : index
    %get3A_185 = arith.constant 0 : index
    %get3A_186 = arith.constant 7 : index
    %get3A_187 = arith.constant 0 : index
    %get3A_188 = arith.constant 0 : index
    %get3A_189 = vector.load %arg1[%get3A_184, %get3A_185, %get3A_186, %get3A_187, %get3A_188] : memref<2x2x16x80x128xf32, #tpu.memory_space<vmem>>, vector<1x1x1x80x128xf32>
    %get3A_190 = vector.shape_cast %get3A_189 : vector<1x1x1x80x128xf32> to vector<80x128xf32>
    %add3A_191 = arith.addf %add3A_183, %get3A_190 : vector<80x128xf32>
    %get3A_192 = arith.constant 1 : index
    %get3A_193 = arith.constant 0 : index
    %get3A_194 = arith.constant 8 : index
    %get3A_195 = arith.constant 0 : index
    %get3A_196 = arith.constant 0 : index
    %get3A_197 = vector.load %arg1[%get3A_192, %get3A_193, %get3A_194, %get3A_195, %get3A_196] : memref<2x2x16x80x128xf32, #tpu.memory_space<vmem>>, vector<1x1x1x80x128xf32>
    %get3A_198 = vector.shape_cast %get3A_197 : vector<1x1x1x80x128xf32> to vector<80x128xf32>
    %add3A_199 = arith.addf %add3A_191, %get3A_198 : vector<80x128xf32>
    %get3A_200 = arith.constant 1 : index
    %get3A_201 = arith.constant 0 : index
    %get3A_202 = arith.constant 9 : index
    %get3A_203 = arith.constant 0 : index
    %get3A_204 = arith.constant 0 : index
    %get3A_205 = vector.load %arg1[%get3A_200, %get3A_201, %get3A_202, %get3A_203, %get3A_204] : memref<2x2x16x80x128xf32, #tpu.memory_space<vmem>>, vector<1x1x1x80x128xf32>
    %get3A_206 = vector.shape_cast %get3A_205 : vector<1x1x1x80x128xf32> to vector<80x128xf32>
    %add3A_207 = arith.addf %add3A_199, %get3A_206 : vector<80x128xf32>
    %get3A_208 = arith.constant 1 : index
    %get3A_209 = arith.constant 0 : index
    %get3A_210 = arith.constant 10 : index
    %get3A_211 = arith.constant 0 : index
    %get3A_212 = arith.constant 0 : index
    %get3A_213 = vector.load %arg1[%get3A_208, %get3A_209, %get3A_210, %get3A_211, %get3A_212] : memref<2x2x16x80x128xf32, #tpu.memory_space<vmem>>, vector<1x1x1x80x128xf32>
    %get3A_214 = vector.shape_cast %get3A_213 : vector<1x1x1x80x128xf32> to vector<80x128xf32>
    %add3A_215 = arith.addf %add3A_207, %get3A_214 : vector<80x128xf32>
    %get3A_216 = arith.constant 1 : index
    %get3A_217 = arith.constant 0 : index
    %get3A_218 = arith.constant 11 : index
    %get3A_219 = arith.constant 0 : index
    %get3A_220 = arith.constant 0 : index
    %get3A_221 = vector.load %arg1[%get3A_216, %get3A_217, %get3A_218, %get3A_219, %get3A_220] : memref<2x2x16x80x128xf32, #tpu.memory_space<vmem>>, vector<1x1x1x80x128xf32>
    %get3A_222 = vector.shape_cast %get3A_221 : vector<1x1x1x80x128xf32> to vector<80x128xf32>
    %add3A_223 = arith.addf %add3A_215, %get3A_222 : vector<80x128xf32>
    %get3A_224 = arith.constant 1 : index
    %get3A_225 = arith.constant 0 : index
    %get3A_226 = arith.constant 12 : index
    %get3A_227 = arith.constant 0 : index
    %get3A_228 = arith.constant 0 : index
    %get3A_229 = vector.load %arg1[%get3A_224, %get3A_225, %get3A_226, %get3A_227, %get3A_228] : memref<2x2x16x80x128xf32, #tpu.memory_space<vmem>>, vector<1x1x1x80x128xf32>
    %get3A_230 = vector.shape_cast %get3A_229 : vector<1x1x1x80x128xf32> to vector<80x128xf32>
    %add3A_231 = arith.addf %add3A_223, %get3A_230 : vector<80x128xf32>
    %get3A_232 = arith.constant 1 : index
    %get3A_233 = arith.constant 0 : index
    %get3A_234 = arith.constant 13 : index
    %get3A_235 = arith.constant 0 : index
    %get3A_236 = arith.constant 0 : index
    %get3A_237 = vector.load %arg1[%get3A_232, %get3A_233, %get3A_234, %get3A_235, %get3A_236] : memref<2x2x16x80x128xf32, #tpu.memory_space<vmem>>, vector<1x1x1x80x128xf32>
    %get3A_238 = vector.shape_cast %get3A_237 : vector<1x1x1x80x128xf32> to vector<80x128xf32>
    %add3A_239 = arith.addf %add3A_231, %get3A_238 : vector<80x128xf32>
    %get3A_240 = arith.constant 1 : index
    %get3A_241 = arith.constant 0 : index
    %get3A_242 = arith.constant 14 : index
    %get3A_243 = arith.constant 0 : index
    %get3A_244 = arith.constant 0 : index
    %get3A_245 = vector.load %arg1[%get3A_240, %get3A_241, %get3A_242, %get3A_243, %get3A_244] : memref<2x2x16x80x128xf32, #tpu.memory_space<vmem>>, vector<1x1x1x80x128xf32>
    %get3A_246 = vector.shape_cast %get3A_245 : vector<1x1x1x80x128xf32> to vector<80x128xf32>
    %add3A_247 = arith.addf %add3A_239, %get3A_246 : vector<80x128xf32>
    %get3A_248 = arith.constant 1 : index
    %get3A_249 = arith.constant 0 : index
    %get3A_250 = arith.constant 15 : index
    %get3A_251 = arith.constant 0 : index
    %get3A_252 = arith.constant 0 : index
    %get3A_253 = vector.load %arg1[%get3A_248, %get3A_249, %get3A_250, %get3A_251, %get3A_252] : memref<2x2x16x80x128xf32, #tpu.memory_space<vmem>>, vector<1x1x1x80x128xf32>
    %get3A_254 = vector.shape_cast %get3A_253 : vector<1x1x1x80x128xf32> to vector<80x128xf32>
    %add3A_255 = arith.addf %add3A_247, %get3A_254 : vector<80x128xf32>
    %max3A = arith.constant 1.000000e+00 : f32
    %max3A_256 = vector.broadcast %max3A : f32 to vector<80x128xf32>
    %max3A_257 = arith.maximumf %add3A_255, %max3A_256 : vector<80x128xf32>
    %broadcast_in_dim3A = vector.shape_cast %max3A_257 : vector<80x128xf32> to vector<80x128x1xf32>
    %broadcast_in_dim3A_258 = vector.shape_cast %broadcast_in_dim3A : vector<80x128x1xf32> to vector<80x128x1xf32>
    %broadcast_in_dim3A_259 = vector.broadcast %broadcast_in_dim3A_258 : vector<80x128x1xf32> to vector<80x128x128xf32>
    %reshape3A = vector.shape_cast %broadcast_in_dim3A_259 : vector<80x128x128xf32> to vector<10240x128xf32>
    %slice3A = vector.extract_strided_slice %reshape3A {offsets = [0, 0], sizes = [10000, 128], strides = [1, 1]} : vector<10240x128xf32> to vector<10000x128xf32>
    %rsqrt3A = math.rsqrt %slice3A : vector<10000x128xf32>
    %mul3A = arith.mulf %get3A_1, %rsqrt3A : vector<10000x128xf32>
    %swap3A = arith.constant 0 : index
    %swap3A_260 = arith.constant 0 : index
    %swap3A_261 = vector.load %arg2[%swap3A, %swap3A_260] : memref<10000x128xf32, #tpu.memory_space<vmem>>, vector<10000x128xf32>
    tpu.vector_store %arg2[%swap3A, %swap3A_260], %mul3A {strides = array<i32>} : memref<10000x128xf32, #tpu.memory_space<vmem>>, vector<10000x128xf32>,
    return
  }
}

</mosaic_0001>

<sc_bundles>
// kernel: kernel.6.cloned.1.call-start
scs
__scs_entry_jumppad:
0x0: {  	(pc) =	sbr.rel $0x88, $3  }
0x1: {  	(tag) =	ssettag $0x0;
	lr =	simm.s32 $0x1  }
0x2: {  	[smem:$0x3F9C] =	sst lr;
	_ =	strace $0xD0000000  }
0x3: {  	_ = 	snop  }
0x4: {  	_ = 	snop  }
0x5: {  	_ = 	snop  }
0x6: {  	_ = 	snop  }
0x7: {  	_ = 	snop  }
__scs_overlays_trampoline_lowered:
0x8: {  	[smem:$0x3FAB] =	sst s0  }
0x9: {  	[smem:$0x3FAC] =	sst s1  }
0xa: {  	[smem:$0x3FAD] =	sst s2  }
0xb: {  	[smem:$0x3FAE] =	sst s3  }
0xc: {  	[smem:$0x3FAF] =	sst s4  }
0xd: {  	[smem:$0x3FB0] =	sst s5  }
0xe: {  	[smem:$0x3FB1] =	sst s6  }
0xf: {  	[smem:$0x3FB2] =	sst s7  }
0x10: {  	[smem:$0x3FB3] =	sst s8  }
0x11: {  	[smem:$0x3FB4] =	sst s9;
	s0 =	simm.s32 @!p0 $0x0  }
0x12: {  	s1 =	sld [smem:$0x3F9A];
	s0 =	simm.s32 @p0 $0x1  }
0x13: {  	[smem:$0x3FB5] =	sst s0;
	s0 =	simm.s32 @!p1 $0x0  }
0x14: {  	s2 =	sld [smem:$0x3F99];
	s0 =	simm.s32 @p1 $0x1  }
0x15: {  	[smem:$0x3FB6] =	sst s0;
	s0 =	simm.s32 @!p2 $0x0  }
0x16: {  	s3 =	sld [smem:$0x3FDB];
	s0 =	simm.s32 @p2 $0x1  }
0x17: {  	s4 =	simm.s32 $0x1BF5;
	[smem:$0x3FB8] =	sst s0  }
0x18: {  	s0 =	sld [smem:$0x3F9B];
	_ =	swait.ge [sflag:s4], $0x0  }
0x19: {  	s7 =	sld [smem:$0x3F9C]  }
0x1a: {  	s8 =	sadd.s32 $0xFFFFE003, lr  }
0x1b: {  	s9 =	sadd.s32 $0xFFFFFEF7, lr;
	s5 =	simm.s32 $0xFFFFFFFF;
	p2 =	slt.u32 s8, $0xFFFFF086  }
0x1c: {  	p1 =	slt.u32 s9, $0xF7A;
	s5 =	simm.s32 @!p2 $0x0  }
0x1d: {  	s5 =	simm.s32 @p1 $0x1;
	p0 =	seq.s32 s7, s2  }
0x1e: {  	s7 =	smul.u32 @!p0 $0xF7A, s2;
	p2 =	seq.s32 @!p0 s5, $0x0  }
0x1f: {  	s9 =	smul.u32 $0xF7A, s1;
	s8 =	simm.s32 @!p0 $0x1BF5;
	p2 =	por !p2, p0  }
0x20: {  	[sflag:s8] =	ssyncset.s32 @!p0 $0xFFFFF086;
	s6 =	sadd.s32 @!p0 s3, s7;
	s7 =	simm.s32 @!p0 $0x108  }
0x21: {  	s3 =	sadd.s32 s3, s9;
	s6 =	sadd.s32 @!p0 $0x88, s6;
	s7 =	simm.s32 @p2 $0x1082  }
0x22: {  	[simem:s7], [sflag:s8] =	dma.local @!p0 [hbm:s6], $0xF7A  }
0x23: {  	s9 =	sor.u32 $0xD0000000, s2;
	s6 =	simm.s32 $0x108;
	_ =	swait.ge @!p0 [sflag:s8], $0x0  }
0x24: {  	s3 =	sadd.s32 $0x88, s3;
	s6 =	simm.s32 @!p1 $0x1082;
	[sflag:s4] =	ssyncset.s32 $0xFFFFF086  }
0x25: {  	[simem:s6], [sflag:s4] =	dma.local [hbm:s3], $0xF7A  }
0x26: {  	[smem:$0x3F9C] =	sst s1;
	(tag) =	ssettag s2;
	_ =	strace s9  }
0x27: {  	s1 =	sld [smem:$0x3FAC]  }
0x28: {  	s2 =	sld [smem:$0x3FAD]  }
0x29: {  	s4 =	sld [smem:$0x3FAF]  }
0x2a: {  	p0 =	seq.s32 s5, $0x0;
	s5 =	sld [smem:$0x3FB0]  }
0x2b: {  	s6 =	sld [smem:$0x3FB1]  }
0x2c: {  	s7 =	sld [smem:$0x3FB2]  }
0x2d: {  	s3 =	simm.s32 $0x108;
	s8 =	sld [smem:$0x3FB3]  }
0x2e: {  	s3 =	simm.s32 @!p0 $0x1082;
	s9 =	sld [smem:$0x3FB4]  }
0x2f: {  	lr =	sadd.s32 s0, s3;
	s0 =	sld [smem:$0x3FAB]  }
0x30: {  	s3 =	sld [smem:$0x3FAE]  }
0x31: {  	[smem:$0x3FB7] =	sst s10  }
0x32: {  	s10 =	sld [smem:$0x3FB5];
	_ =	sdelay $0x3  }
0x33: {  	p0 =	seq.s32 s10, $0x1;
	s10 =	sld [smem:$0x3FB7];
	_ =	sdelay $0x3  }
0x34: {  	[smem:$0x3FB7] =	sst s10  }
0x35: {  	s10 =	sld [smem:$0x3FB6];
	_ =	sdelay $0x3  }
0x36: {  	p1 =	seq.s32 s10, $0x1;
	s10 =	sld [smem:$0x3FB7];
	_ =	sdelay $0x3  }
0x37: {  	[smem:$0x3FB7] =	sst s10  }
0x38: {  	s10 =	sld [smem:$0x3FB8]  }
0x39: {  	_ = 	snop;
	(pc) =	sbr.ind lr, $3  }
0x3a: {  	_ = 	snop  }
0x3b: {  	_ = 	snop  }
0x3c: {  	p2 =	seq.s32 s10, $0x1;
	s10 =	sld [smem:$0x3FB7]  }
0x3d: {  	_ =	shalt  }
0x3e: {  	_ =	shalt  }
0x3f: {  	_ =	shalt  }
0x40: {  	_ =	shalt  }
0x41: {  	_ =	shalt  }
0x42: {  	_ =	shalt  }
0x43: {  	_ =	shalt  }
0x44: {  	_ =	shalt  }
0x45: {  	_ =	shalt  }
0x46: {  	_ =	shalt  }
0x47: {  	_ =	shalt  }
0x48: {  	_ =	shalt  }
0x49: {  	_ =	shalt  }
0x4a: {  	_ =	shalt  }
0x4b: {  	_ =	shalt  }
0x4c: {  	_ =	shalt  }
0x4d: {  	_ =	shalt  }
0x4e: {  	_ =	shalt  }
0x4f: {  	_ =	shalt  }
0x50: {  	_ =	shalt  }
0x51: {  	_ =	shalt  }
0x52: {  	_ =	shalt  }
0x53: {  	_ =	shalt  }
0x54: {  	_ =	shalt  }
0x55: {  	_ =	shalt  }
0x56: {  	_ =	shalt  }
0x57: {  	_ =	shalt  }
0x58: {  	_ =	shalt  }
0x59: {  	_ =	shalt  }
0x5a: {  	_ =	shalt  }
0x5b: {  	_ =	shalt  }
0x5c: {  	_ =	shalt  }
0x5d: {  	_ =	shalt  }
0x5e: {  	_ =	shalt  }
0x5f: {  	_ =	shalt  }
0x60: {  	_ =	shalt  }
0x61: {  	_ =	shalt  }
0x62: {  	_ =	shalt  }
0x63: {  	_ =	shalt  }
0x64: {  	_ =	shalt  }
0x65: {  	_ =	shalt  }
0x66: {  	_ =	shalt  }
0x67: {  	_ =	shalt  }
0x68: {  	_ =	shalt  }
0x69: {  	_ =	shalt  }
0x6a: {  	_ =	shalt  }
0x6b: {  	_ =	shalt  }
0x6c: {  	_ =	shalt  }
0x6d: {  	_ =	shalt  }
0x6e: {  	_ =	shalt  }
0x6f: {  	_ =	shalt  }
0x70: {  	_ =	shalt  }
0x71: {  	_ =	shalt  }
0x72: {  	_ =	shalt  }
0x73: {  	_ =	shalt  }
0x74: {  	_ =	shalt  }
0x75: {  	_ =	shalt  }
0x76: {  	_ =	shalt  }
0x77: {  	_ =	shalt  }
0x78: {  	_ =	shalt  }
0x79: {  	_ =	shalt  }
0x7a: {  	_ =	shalt  }
0x7b: {  	_ =	shalt  }
0x7c: {  	_ =	shalt  }
0x7d: {  	_ =	shalt  }
0x7e: {  	_ =	shalt  }
0x7f: {  	_ =	shalt  }
0x80: {  	_ =	shalt  }
0x81: {  	_ =	shalt  }
0x82: {  	_ =	shalt  }
0x83: {  	_ =	shalt  }
0x84: {  	_ =	shalt  }
0x85: {  	_ =	shalt  }
0x86: {  	_ =	shalt  }
0x87: {  	_ =	shalt  }
.Lfunc_end0:
.L_simem_size_0:
called_computation_lowered:
.L_overlay_start_0:
0x88: {  	s2 =	sld [smem:$0x3FD9]  }
0x89: {  	s3 =	sld [smem:$0x3FFE];
	_ =	sdelay $0x1  }
0x8a: {  	s1 =	srdreg.scid  }
0x8b: {  	s0 =	sand.u32 $0x1, s1  }
0x8c: {  	s17 =	sshll.u32 s0, $0xA;
	s2 =	sadd.s32 s3, s2  }
0x8d: {  	s2 =	sadd.s32 s2, s17  }
0x8e: {  	[smem:$0x3FC3] =	sst s2  }
0x8f: {  	_ = 	snop  }
0x90: {  	s2 =	sld [smem:$0x3FD0];
	(tm) =	ssettm $0x1  }
0x91: {  	s18 =	sld [smem:$0x3FFB];
	_ =	sdelay $0x3  }
0x92: {  	_ =	strace s18  }
0x93: {  	s3 =	sld [smem:$0x3FFC];
	_ =	sdelay $0x3  }
0x94: {  	_ =	strace s3  }
0x95: {  	s3 =	sld [smem:$0x3FFD];
	_ =	sdelay $0x3  }
0x96: {  	_ =	strace s3  }
0x97: {  	_ =	strace $0x8FFFFFFF  }
0x98: {  	s19 =	sld [smem:$0x3FDB];
	_ =	sdelay $0x1  }
0x99: {  	s4 =	simm.s32 $_scs_section_size  }
0x9a: {  	s5 =	simm.s32 $_size__tile_overlayer_lowered;
	s6 =	simm.s32 $_tile_overlayer_lowered  }
0x9b: {  	s22 =	simm.s32 $0x1BFF;
	s21 =	sshll.u32 s6, $0x1;
	s3 =	sadd.s32 s4, s19  }
0x9c: {  	s7 =	simm.s32 $0x0;
	s20 =	sshll.u32 s5, $0x1;
	s5 =	sadd.s32 s21, s3  }
0x9d: {  	[timem:s7], [sflag:s22] =	dma.local [hbm:s5], s20  }
0x9e: {  	_ =	swait.ge [sflag:s22], s20  }
0x9f: {  	s4 =	ssub.s32 $0x0, s20;
	[sflag:s22] =	ssyncset.done $0x0  }
0xa0: {  	[sflag:s22] =	ssyncadd.s32 s4;
	_ =	sdelay $0x1  }
0xa1: {  	s23 =	simm.s32 $0x1B8B  }
0xa2: {  	_ =	swait.ge [sflag:s23], $0x1  }
0xa3: {  	[sflag:s23] =	ssyncset.done $0x0  }
0xa4: {  	s25 =	simm.s32 $0x1B8E;
	s24 =	sld [smem:$0x3FFE];
	[sflag:s23] =	ssyncadd.s32 $0xFFFFFFFF  }
0xa5: {  	s26 =	simm.s32 $execute0_lowered;
	[smem:$0x3FD2] =	sst s25  }
0xa6: {  	s5 =	sshll.u32 s26, $0x1;
	_ =	strace $0x80000046;
	[dreg:$0x1] =	wrdreg $0xFFFFFFFF  }
0xa7: {  	s28 =	simm.s32 $_size_execute0_lowered;
	s3 =	sadd.s32 s3, s5;
	[dreg:$0x0] =	wrdreg $0x0  }
0xa8: {  	s5 =	sshll.u32 s28, $0x1;
	[dreg:$0x2] =	wrdreg s3  }
0xa9: {  	[dreg:$0x3] =	wrdreg s5  }
0xaa: {  	[dreg:$0x4] =	wrdreg $0xC0  }
0xab: {  	_ =	task [dreg:s7], $0x5FFFF  }
0xac: {  	[dreg:$0x1] =	wrdreg $0xFFFFFFFF  }
0xad: {  	[dreg:$0x0] =	wrdreg $0x60  }
0xae: {  	[dreg:$0x2] =	wrdreg s24  }
0xaf: {  	[dreg:$0x3] =	wrdreg s2  }
0xb0: {  	[dreg:$0x4] =	wrdreg $0x9  }
0xb1: {  	_ =	task.clear_ibuf [dreg:s7], $0x5FFFF;
	_ =	strace $0x90000046  }
0xb2: {  	s29 =	simm.s32 $0x9;
	_ =	strace $0x80000048  }
0xb3: {  	_ =	swait.ge [sflag:s29], $0x1  }
0xb4: {  	[sflag:s29] =	ssyncadd.s32 $0xFFFFFFFF  }
0xb5: {  	_ =	strace $0x90000048  }
0xb6: {  	_ =	sfence  }
0xb7: {  	s30 =	sld [smem:$0x0];
	_ =	sdelay $0x2  }
0xb8: {  	s31 =	sshll.u32 s1, $0xD;
	s1 =	sshrl.u32 s1, $0x2  }
0xb9: {  	s3 =	sand.u32 $0x4000, s31;
	s1 =	sadd.s32 s1, s30  }
0xba: {  	s0 =	sor.u32 s3, s0;
	s1 =	sshll.u32 s1, $0x11  }
0xbb: {  	s0 =	sor.u32 s1, s0  }
0xbc: {  	s0 =	sadd.s32 $0x8F2B, s0  }
0xbd: {  	[sflag:s0] =	ssyncadd.remote.s32 $0x1  }
0xbe: {  	_ =	sfence.sel $0xFFFF  }
0xbf: {  	[dreg:$0x0] =	wrdreg $0xFFFFFFFF;
	(pc) =	sbr.abs _section_cstart, $3  }
0xc0: {  	[dreg:$0x1] =	wrdreg $0xFFFFFFFF  }
0xc1: {  	_ =	task.clear_ibuf [dreg:s7], $0x2FFFF;
	_ =	strace $0x9FFFFFFF  }
0xc2: {  	(tm) =	ssettm $0x7FFFFFFF  }
0xc3: {  	_ =	shalt  }
tec
execute0_lowered:
.L_overlay_start_1:
0x0: {  	(tag) =	ssettag $0x1  }
0x1: {  	s4 =	rddreg [dreg:$0x0]  }
0x2: {  	s2 =	rddreg [dreg:$0x1]  }
0x3: {  	s1 =	srdreg.scid;
	s0 =	rddreg [dreg:$0x2]  }
0x4: {  	s3 =	simm.s32 $0x0;
	s9 =	simm.s32 $0x4F00;
	s10 =	simm.s32 $0x1  }
0x5: {  	s11 =	simm.s32 $0x7700;
	s12 =	simm.s32 $0x2780;
	s5 =	sand.u32 $0x1, s1  }
0x6: {  	s1 =	stileid.u32;
	s6 =	sshll.u32 s5, $0x4;
	s7 =	smul.u32 $0x50000, s5  }
0x7: {  	s13 =	simm.s32 $0x0;
	s8 =	smul.u32 $0x2800, s1;
	s6 =	sor.u32 s1, s6  }
0x8: {  	[smem:$0x7FF] =	sst s3;
	s5 =	ssub.s32 $0x2, s5;
	s6 =	smul.u32 $0x4E2, s6  }
0x9: {  	_ =	strace $0x80000047;
	s31 =	sshrl.u32 s5, $0x1;
	s7 =	sadd.s32 s8, s7  }
0xa: {  	s8 =	ssub.s32 s5, s31;
	s7 =	sshrl.u32 s7, $0x3;
	s6 =	sadd.s32 s6, s4  }
0xb: {  	s8 =	smax.u32 s8, $0x1;
	s7 =	sadd.s32 s7, s4;
	s4 =	sadd.s32 $0xAE00, s6  }
0xc: {  	v0 =	vimm.f32 $1.000000000e+00;
	s5 =	sadd.s32 $0x1000, s6;
	s6 =	sadd.s32 $0x14C00, s7;
	s7 =	sadd.s32 $0x19C00, s7  }
.LBB2_1:
0xd: {  	[tilespmem:s9], [sflag:$0x1] =	stream.linear.gather [hbm4b:s2+s3], $0x2800, $0x38;
	[tilespmem:$0x9F00] =	vst v63  }
0xe: {  	_ =	swait.ge [sflag:s10], $0x2800  }
0xf: {  	[sflag:s10] =	ssyncset.done $0x0  }
0x10: {  	[sflag:s10] =	ssyncadd.s32 $0xFFFFD800  }
0x11: {  	[tilespmem:s11], [sflag:$0x1] =	stream.linear.gather [hbm4b:s2+s3], $0x2800, $0x38;
	[tilespmem:$0x9F00] =	vst v63  }
0x12: {  	_ =	swait.ge [sflag:s10], $0x2800  }
0x13: {  	[sflag:s10] =	ssyncset.done $0x0  }
0x14: {  	[sflag:s10] =	ssyncadd.s32 $0xFFFFD800  }
0x15: {  	[tilespmem:s3], [sflag:$0x1] =	stream.linear.gather [hbm4b:s4+s3], $0x2710, $0x38;
	[tilespmem:$0x9F00] =	vst v63  }
0x16: {  	_ =	swait.ge [sflag:s10], $0x2710  }
0x17: {  	[sflag:s10] =	ssyncset.done $0x0  }
0x18: {  	[sflag:s10] =	ssyncadd.s32 $0xFFFFD8F0  }
0x19: {  	[tilespmem:s12], [sflag:$0x1] =	stream.linear.gather [hbm4b:s5+s3], $0x2710, $0x38;
	[tilespmem:$0x9F00] =	vst v63  }
0x1a: {  	_ =	swait.ge [sflag:s10], $0x2710  }
0x1b: {  	[sflag:s10] =	ssyncset.done $0x0  }
0x1c: {  	s15 =	simm.s32 $0x0;
	s14 =	simm.s32 $0x40;
	[sflag:s10] =	ssyncadd.s32 $0xFFFFD8F0  }
.LBB2_2:
0x1d: {  	p0 =	sne.s32 s14, $0x9C00;
	v1 =	vld [tilespmem:s15+$0x0];
	_ =	sdelay $0x7  }
0x1e: {  	[tilespmem:v1+s9+$0x0] =	vst.idx.add.f32.msk $0xffff, v0  }
0x1f: {  	v1 =	vld [tilespmem:s15+$0x2780];
	_ =	sdelay $0x3  }
.Ltmp0:
0x20: {  	(pc) =	sbr.rel @p0 .LBB2_2-.Ltmp0, $2  }
0x21: {  	_ =	sdelay $0x2  }
0x22: {  	s15 =	sshra.s32 s14, $0x2;
	s14 =	sadd.s32 $0x40, s14;
	[tilespmem:v1+s11+$0x0] =	vst.idx.add.f32.msk $0xffff, v0  }
0x23: {  	v1 =	vld [tilespmem:s15+$0x0];
	_ =	sdelay $0x7  }
0x24: {  	[tilespmem:v1+s9+$0x0] =	vst.idx.add.f32.msk $0xffff, v0  }
0x25: {  	v1 =	vld [tilespmem:s15+$0x2780];
	_ =	sdelay $0x7  }
0x26: {  	[tilespmem:v1+s11+$0x0] =	vst.idx.add.f32.msk $0xffff, v0  }
0x27: {  	[hbm4b:s6+s3] =	stream.linear.scatter [tilespmem:s9], [sflag:$0x1], $0x2800, $0x38;
	[tilespmem:$0x9F00] =	vst v63  }
0x28: {  	s13 =	sadd.s32 $0x1, s13;
	_ =	swait.ge [sflag:s10], $0x2800  }
0x29: {  	p0 =	sne.s32 s13, s8;
	[sflag:s10] =	ssyncset.done $0x0  }
.Ltmp1:
0x2a: {  	[sflag:s10] =	ssyncadd.s32 $0xFFFFD800;
	(pc) =	sbr.rel @p0 .LBB2_1-.Ltmp1, $4  }
0x2b: {  	[hbm4b:s7+s3] =	stream.linear.scatter [tilespmem:s11], [sflag:$0x1], $0x2800, $0x38;
	[tilespmem:$0x9F00] =	vst v63  }
0x2c: {  	_ =	swait.ge [sflag:s10], $0x2800  }
0x2d: {  	[sflag:s10] =	ssyncset.done $0x0  }
0x2e: {  	[sflag:s10] =	ssyncadd.s32 $0xFFFFD800  }
0x2f: {  	_ =	sfence.sel $0x180000  }
0x30: {  	[bflag:$0x0] =	sbarrier.arrive $0xFFFF  }
0x31: {  	p0 =	sne.s32 s1, $0x0;
	_ =	strace $0x90000047  }
0x32: {  	s0 =	sadd.s32 @!p0 $0x100000, s0;
	[bflag:$0x2] =	sbarrier.arrive $0xFFFF  }
0x33: {  	[sflag:s0] =	ssyncadd.tile.s32 @!p0 $0x1;
	_ =	shalt  }
.Lfunc_end2:
_tile_overlayer_lowered:
.L_overlay_start_2:
0x34: {  	(tag) =	ssettag $0x2  }
0x35: {  	s0 =	rddreg [dreg:$0x0];
	s2 =	stileid.u32  }
0x36: {  	s1 =	rddreg [dreg:$0x1];
	p0 =	sne.s32 s2, $0x0  }
0x37: {  	s3 =	rddreg [dreg:$0x2];
	[bflag:$0x3] =	sbarrier.arrive $0xFFFF;
	s2 =	simm.s32 @!p0 $0x1C01  }
0x38: {  	[timem:s3], [sflag:s2] =	dma.local @!p0 [hbm:s0], s1  }
0x39: {  	s0 =	simm.s32 @!p0 $0x1  }
0x3a: {  	_ =	swait.ge @!p0 [sflag:s0], s1  }
0x3b: {  	s1 =	ssub.s32 @!p0 $0x0, s1;
	[sflag:s0] =	ssyncset.done @!p0 $0x0  }
0x3c: {  	[sflag:s0] =	ssyncadd.s32 @!p0 s1  }
0x3d: {  	[bflag:$0x3] =	sbarrier.arrive $0xFFFF  }
0x3e: {  	_ =	shalt  }

// kernel: kernel.9.cloned.1.call-start
scs
__scs_entry_jumppad:
0x0: {  	(pc) =	sbr.rel $0x88, $3  }
0x1: {  	(tag) =	ssettag $0x0;
	lr =	simm.s32 $0x1  }
0x2: {  	[smem:$0x3F9C] =	sst lr;
	_ =	strace $0xD0000000  }
0x3: {  	_ = 	snop  }
0x4: {  	_ = 	snop  }
0x5: {  	_ = 	snop  }
0x6: {  	_ = 	snop  }
0x7: {  	_ = 	snop  }
__scs_overlays_trampoline_lowered:
0x8: {  	[smem:$0x3FAB] =	sst s0  }
0x9: {  	[smem:$0x3FAC] =	sst s1  }
0xa: {  	[smem:$0x3FAD] =	sst s2  }
0xb: {  	[smem:$0x3FAE] =	sst s3  }
0xc: {  	[smem:$0x3FAF] =	sst s4  }
0xd: {  	[smem:$0x3FB0] =	sst s5  }
0xe: {  	[smem:$0x3FB1] =	sst s6  }
0xf: {  	[smem:$0x3FB2] =	sst s7  }
0x10: {  	[smem:$0x3FB3] =	sst s8  }
0x11: {  	[smem:$0x3FB4] =	sst s9;
	s0 =	simm.s32 @!p0 $0x0  }
0x12: {  	s1 =	sld [smem:$0x3F9A];
	s0 =	simm.s32 @p0 $0x1  }
0x13: {  	[smem:$0x3FB5] =	sst s0;
	s0 =	simm.s32 @!p1 $0x0  }
0x14: {  	s2 =	sld [smem:$0x3F99];
	s0 =	simm.s32 @p1 $0x1  }
0x15: {  	[smem:$0x3FB6] =	sst s0;
	s0 =	simm.s32 @!p2 $0x0  }
0x16: {  	s3 =	sld [smem:$0x3FDB];
	s0 =	simm.s32 @p2 $0x1  }
0x17: {  	s4 =	simm.s32 $0x1BF5;
	[smem:$0x3FB8] =	sst s0  }
0x18: {  	s0 =	sld [smem:$0x3F9B];
	_ =	swait.ge [sflag:s4], $0x0  }
0x19: {  	s7 =	sld [smem:$0x3F9C]  }
0x1a: {  	s8 =	sadd.s32 $0xFFFFE003, lr  }
0x1b: {  	s9 =	sadd.s32 $0xFFFFFEF7, lr;
	s5 =	simm.s32 $0xFFFFFFFF;
	p2 =	slt.u32 s8, $0xFFFFF086  }
0x1c: {  	p1 =	slt.u32 s9, $0xF7A;
	s5 =	simm.s32 @!p2 $0x0  }
0x1d: {  	s5 =	simm.s32 @p1 $0x1;
	p0 =	seq.s32 s7, s2  }
0x1e: {  	s7 =	smul.u32 @!p0 $0xF7A, s2;
	p2 =	seq.s32 @!p0 s5, $0x0  }
0x1f: {  	s9 =	smul.u32 $0xF7A, s1;
	s8 =	simm.s32 @!p0 $0x1BF5;
	p2 =	por !p2, p0  }
0x20: {  	[sflag:s8] =	ssyncset.s32 @!p0 $0xFFFFF086;
	s6 =	sadd.s32 @!p0 s3, s7;
	s7 =	simm.s32 @!p0 $0x108  }
0x21: {  	s3 =	sadd.s32 s3, s9;
	s6 =	sadd.s32 @!p0 $0x88, s6;
	s7 =	simm.s32 @p2 $0x1082  }
0x22: {  	[simem:s7], [sflag:s8] =	dma.local @!p0 [hbm:s6], $0xF7A  }
0x23: {  	s9 =	sor.u32 $0xD0000000, s2;
	s6 =	simm.s32 $0x108;
	_ =	swait.ge @!p0 [sflag:s8], $0x0  }
0x24: {  	s3 =	sadd.s32 $0x88, s3;
	s6 =	simm.s32 @!p1 $0x1082;
	[sflag:s4] =	ssyncset.s32 $0xFFFFF086  }
0x25: {  	[simem:s6], [sflag:s4] =	dma.local [hbm:s3], $0xF7A  }
0x26: {  	[smem:$0x3F9C] =	sst s1;
	(tag) =	ssettag s2;
	_ =	strace s9  }
0x27: {  	s1 =	sld [smem:$0x3FAC]  }
0x28: {  	s2 =	sld [smem:$0x3FAD]  }
0x29: {  	s4 =	sld [smem:$0x3FAF]  }
0x2a: {  	p0 =	seq.s32 s5, $0x0;
	s5 =	sld [smem:$0x3FB0]  }
0x2b: {  	s6 =	sld [smem:$0x3FB1]  }
0x2c: {  	s7 =	sld [smem:$0x3FB2]  }
0x2d: {  	s3 =	simm.s32 $0x108;
	s8 =	sld [smem:$0x3FB3]  }
0x2e: {  	s3 =	simm.s32 @!p0 $0x1082;
	s9 =	sld [smem:$0x3FB4]  }
0x2f: {  	lr =	sadd.s32 s0, s3;
	s0 =	sld [smem:$0x3FAB]  }
0x30: {  	s3 =	sld [smem:$0x3FAE]  }
0x31: {  	[smem:$0x3FB7] =	sst s10  }
0x32: {  	s10 =	sld [smem:$0x3FB5];
	_ =	sdelay $0x3  }
0x33: {  	p0 =	seq.s32 s10, $0x1;
	s10 =	sld [smem:$0x3FB7];
	_ =	sdelay $0x3  }
0x34: {  	[smem:$0x3FB7] =	sst s10  }
0x35: {  	s10 =	sld [smem:$0x3FB6];
	_ =	sdelay $0x3  }
0x36: {  	p1 =	seq.s32 s10, $0x1;
	s10 =	sld [smem:$0x3FB7];
	_ =	sdelay $0x3  }
0x37: {  	[smem:$0x3FB7] =	sst s10  }
0x38: {  	s10 =	sld [smem:$0x3FB8]  }
0x39: {  	_ = 	snop;
	(pc) =	sbr.ind lr, $3  }
0x3a: {  	_ = 	snop  }
0x3b: {  	_ = 	snop  }
0x3c: {  	p2 =	seq.s32 s10, $0x1;
	s10 =	sld [smem:$0x3FB7]  }
0x3d: {  	_ =	shalt  }
0x3e: {  	_ =	shalt  }
0x3f: {  	_ =	shalt  }
0x40: {  	_ =	shalt  }
0x41: {  	_ =	shalt  }
0x42: {  	_ =	shalt  }
0x43: {  	_ =	shalt  }
0x44: {  	_ =	shalt  }
0x45: {  	_ =	shalt  }
0x46: {  	_ =	shalt  }
0x47: {  	_ =	shalt  }
0x48: {  	_ =	shalt  }
0x49: {  	_ =	shalt  }
0x4a: {  	_ =	shalt  }
0x4b: {  	_ =	shalt  }
0x4c: {  	_ =	shalt  }
0x4d: {  	_ =	shalt  }
0x4e: {  	_ =	shalt  }
0x4f: {  	_ =	shalt  }
0x50: {  	_ =	shalt  }
0x51: {  	_ =	shalt  }
0x52: {  	_ =	shalt  }
0x53: {  	_ =	shalt  }
0x54: {  	_ =	shalt  }
0x55: {  	_ =	shalt  }
0x56: {  	_ =	shalt  }
0x57: {  	_ =	shalt  }
0x58: {  	_ =	shalt  }
0x59: {  	_ =	shalt  }
0x5a: {  	_ =	shalt  }
0x5b: {  	_ =	shalt  }
0x5c: {  	_ =	shalt  }
0x5d: {  	_ =	shalt  }
0x5e: {  	_ =	shalt  }
0x5f: {  	_ =	shalt  }
0x60: {  	_ =	shalt  }
0x61: {  	_ =	shalt  }
0x62: {  	_ =	shalt  }
0x63: {  	_ =	shalt  }
0x64: {  	_ =	shalt  }
0x65: {  	_ =	shalt  }
0x66: {  	_ =	shalt  }
0x67: {  	_ =	shalt  }
0x68: {  	_ =	shalt  }
0x69: {  	_ =	shalt  }
0x6a: {  	_ =	shalt  }
0x6b: {  	_ =	shalt  }
0x6c: {  	_ =	shalt  }
0x6d: {  	_ =	shalt  }
0x6e: {  	_ =	shalt  }
0x6f: {  	_ =	shalt  }
0x70: {  	_ =	shalt  }
0x71: {  	_ =	shalt  }
0x72: {  	_ =	shalt  }
0x73: {  	_ =	shalt  }
0x74: {  	_ =	shalt  }
0x75: {  	_ =	shalt  }
0x76: {  	_ =	shalt  }
0x77: {  	_ =	shalt  }
0x78: {  	_ =	shalt  }
0x79: {  	_ =	shalt  }
0x7a: {  	_ =	shalt  }
0x7b: {  	_ =	shalt  }
0x7c: {  	_ =	shalt  }
0x7d: {  	_ =	shalt  }
0x7e: {  	_ =	shalt  }
0x7f: {  	_ =	shalt  }
0x80: {  	_ =	shalt  }
0x81: {  	_ =	shalt  }
0x82: {  	_ =	shalt  }
0x83: {  	_ =	shalt  }
0x84: {  	_ =	shalt  }
0x85: {  	_ =	shalt  }
0x86: {  	_ =	shalt  }
0x87: {  	_ =	shalt  }
.Lfunc_end0:
.L_simem_size_0:
called_computation.1_lowered:
.L_overlay_start_0:
0x88: {  	s2 =	sld [smem:$0x3FD9]  }
0x89: {  	s3 =	sld [smem:$0x3FFE];
	_ =	sdelay $0x1  }
0x8a: {  	s1 =	srdreg.scid  }
0x8b: {  	s0 =	sand.u32 $0x1, s1  }
0x8c: {  	s17 =	sshll.u32 s0, $0xA;
	s2 =	sadd.s32 s3, s2  }
0x8d: {  	s2 =	sadd.s32 s2, s17  }
0x8e: {  	[smem:$0x3FC3] =	sst s2  }
0x8f: {  	_ = 	snop  }
0x90: {  	s2 =	sld [smem:$0x3FD0];
	(tm) =	ssettm $0x1  }
0x91: {  	s18 =	sld [smem:$0x3FFB];
	_ =	sdelay $0x3  }
0x92: {  	_ =	strace s18  }
0x93: {  	s3 =	sld [smem:$0x3FFC];
	_ =	sdelay $0x3  }
0x94: {  	_ =	strace s3  }
0x95: {  	s3 =	sld [smem:$0x3FFD];
	_ =	sdelay $0x3  }
0x96: {  	_ =	strace s3  }
0x97: {  	_ =	strace $0x8FFFFFFF  }
0x98: {  	s19 =	sld [smem:$0x3FDB];
	_ =	sdelay $0x1  }
0x99: {  	s4 =	simm.s32 $_scs_section_size  }
0x9a: {  	s5 =	simm.s32 $_size__tile_overlayer_lowered;
	s6 =	simm.s32 $_tile_overlayer_lowered  }
0x9b: {  	s22 =	simm.s32 $0x1BFF;
	s21 =	sshll.u32 s6, $0x1;
	s3 =	sadd.s32 s4, s19  }
0x9c: {  	s7 =	simm.s32 $0x0;
	s20 =	sshll.u32 s5, $0x1;
	s5 =	sadd.s32 s21, s3  }
0x9d: {  	[timem:s7], [sflag:s22] =	dma.local [hbm:s5], s20  }
0x9e: {  	_ =	swait.ge [sflag:s22], s20  }
0x9f: {  	s4 =	ssub.s32 $0x0, s20;
	[sflag:s22] =	ssyncset.done $0x0  }
0xa0: {  	[sflag:s22] =	ssyncadd.s32 s4;
	_ =	sdelay $0x1  }
0xa1: {  	s23 =	simm.s32 $0x1B8B  }
0xa2: {  	_ =	swait.ge [sflag:s23], $0x1  }
0xa3: {  	[sflag:s23] =	ssyncset.done $0x0  }
0xa4: {  	s25 =	simm.s32 $0x1B8E;
	s24 =	sld [smem:$0x3FFE];
	[sflag:s23] =	ssyncadd.s32 $0xFFFFFFFF  }
0xa5: {  	s26 =	simm.s32 $execute0_lowered;
	[smem:$0x3FD2] =	sst s25  }
0xa6: {  	s5 =	sshll.u32 s26, $0x1;
	_ =	strace $0x80000049;
	[dreg:$0x1] =	wrdreg $0xFFFFFFFF  }
0xa7: {  	s28 =	simm.s32 $_size_execute0_lowered;
	s3 =	sadd.s32 s3, s5;
	[dreg:$0x0] =	wrdreg $0x0  }
0xa8: {  	s5 =	sshll.u32 s28, $0x1;
	[dreg:$0x2] =	wrdreg s3  }
0xa9: {  	[dreg:$0x3] =	wrdreg s5  }
0xaa: {  	[dreg:$0x4] =	wrdreg $0xC0  }
0xab: {  	_ =	task [dreg:s7], $0x5FFFF  }
0xac: {  	[dreg:$0x1] =	wrdreg $0xFFFFFFFF  }
0xad: {  	[dreg:$0x0] =	wrdreg $0x60  }
0xae: {  	[dreg:$0x2] =	wrdreg s2  }
0xaf: {  	[dreg:$0x3] =	wrdreg s24  }
0xb0: {  	[dreg:$0x4] =	wrdreg $0xA1000  }
0xb1: {  	[dreg:$0x5] =	wrdreg $0x9  }
0xb2: {  	_ =	task.clear_ibuf [dreg:s7], $0x6FFFF;
	_ =	strace $0x90000049  }
0xb3: {  	s29 =	simm.s32 $0x9;
	_ =	strace $0x8000004B  }
0xb4: {  	_ =	swait.ge [sflag:s29], $0x1  }
0xb5: {  	[sflag:s29] =	ssyncadd.s32 $0xFFFFFFFF  }
0xb6: {  	_ =	strace $0x9000004B  }
0xb7: {  	_ =	sfence  }
0xb8: {  	s30 =	sld [smem:$0x0];
	_ =	sdelay $0x2  }
0xb9: {  	s31 =	sshll.u32 s1, $0xD;
	s1 =	sshrl.u32 s1, $0x2  }
0xba: {  	s3 =	sand.u32 $0x4000, s31;
	s1 =	sadd.s32 s1, s30  }
0xbb: {  	s0 =	sor.u32 s3, s0;
	s1 =	sshll.u32 s1, $0x11  }
0xbc: {  	s0 =	sor.u32 s1, s0  }
0xbd: {  	s0 =	sadd.s32 $0x8F2B, s0  }
0xbe: {  	[sflag:s0] =	ssyncadd.remote.s32 $0x1  }
0xbf: {  	_ =	sfence.sel $0xFFFF  }
0xc0: {  	[dreg:$0x0] =	wrdreg $0xFFFFFFFF;
	(pc) =	sbr.abs _section_cstart, $3  }
0xc1: {  	[dreg:$0x1] =	wrdreg $0xFFFFFFFF  }
0xc2: {  	_ =	task.clear_ibuf [dreg:s7], $0x2FFFF;
	_ =	strace $0x9FFFFFFF  }
0xc3: {  	(tm) =	ssettm $0x7FFFFFFF  }
tec
execute0_lowered:
.L_overlay_start_1:
0x0: {  	(tag) =	ssettag $0x1  }
0x1: {  	s1 =	rddreg [dreg:$0x0]  }
0x2: {  	s0 =	srdreg.scid;
	s5 =	rddreg [dreg:$0x1]  }
0x3: {  	s12 =	stileid.u32;
	s3 =	rddreg [dreg:$0x2];
	s4 =	simm.s32 $0x0  }
0x4: {  	s28 =	simm.s32 $0x7900;
	s29 =	simm.s32 $0x4;
	s30 =	simm.s32 $0x1  }
0x5: {  	s31 =	simm.s32 $0x7;
	s0 =	sand.u32 $0x1, s0;
	s7 =	smul.u32 $0x13C00, s12  }
0x6: {  	[smem:$0x7FF] =	sst s4;
	s9 =	sadd.s32 $0x1000, s5;
	s10 =	smul.u32 $0x4F000, s12  }
0x7: {  	s11 =	sadd.s32 $0x28C00, s5;
	s16 =	sshll.u32 s12, $0x6;
	s18 =	smul.u32 $0x2710, s12  }
0x8: {  	s2 =	sshll.u32 s0, $0x4;
	s6 =	smul.u32 $0x13C000, s0;
	_ =	strace $0x8000004A  }
0x9: {  	s13 =	ssub.s32 $0x2, s0;
	[dreg:$0x4] =	wrdreg s11;
	s0 =	smul.u32 $0x27100, s0  }
0xa: {  	s2 =	sor.u32 s12, s2;
	s14 =	sshrl.u32 s13, $0x1;
	s15 =	sshrl.u32 s10, $0x2  }
0xb: {  	s2 =	smul.u32 $0x2710, s2;
	s6 =	sadd.s32 s7, s6;
	s11 =	ssub.s32 s13, s14  }
0xc: {  	s10 =	sadd.s32 s15, s3;
	s0 =	sadd.s32 s18, s0;
	s6 =	sshrl.u32 s6, $0x3  }
0xd: {  	s20 =	smax.u32 s11, $0x1;
	s24 =	sadd.s32 $0x230, s0;
	s25 =	sadd.s32 $0x1E0, s0  }
0xe: {  	s0 =	sadd.s32 $0x190, s0;
	s18 =	sshrl.u32 s10, $0x3;
	s10 =	simm.s32 $0x0  }
0xf: {  	s2 =	sshrl.u32 s2, $0x3;
	[dreg:$0x9] =	wrdreg s20;
	s26 =	sshrl.u32 s25, $0x3  }
0x10: {  	s0 =	sshrl.u32 s0, $0x3;
	s20 =	simm.s32 $0x2780;
	s25 =	simm.s32 $0x2880  }
0x11: {  	s8 =	sadd.s32 s2, s5;
	s5 =	sadd.s32 s6, s5;
	s6 =	sor.u32 $0x1C0A, s16  }
0x12: {  	s17 =	sadd.s32 s9, s2;
	s2 =	sshrl.u32 s24, $0x3;
	s16 =	sadd.s32 s26, s9  }
0x13: {  	s24 =	simm.s32 $0x5100;
	s8 =	sadd.s32 $0xAE00, s8;
	[dreg:$0x5] =	wrdreg s17  }
0x14: {  	s26 =	simm.s32 $0x2;
	s19 =	sadd.s32 $0xA, s17;
	[dreg:$0x6] =	wrdreg s8  }
0x15: {  	s5 =	sadd.s32 $0x2B400, s5;
	s21 =	sadd.s32 $0x14, s17;
	[dreg:$0x7] =	wrdreg s19  }
0x16: {  	s22 =	sadd.s32 $0x1E, s17;
	s23 =	sadd.s32 $0x28, s17;
	[dreg:$0x8] =	wrdreg s5  }
.Ltmp0:
0x17: {  	s15 =	sadd.s32 s2, s9;
	[dreg:$0xa] =	wrdreg s21;
	(pc) =	sbr.rel .LBB2_1-.Ltmp0, $4  }
0x18: {  	s17 =	sadd.s32 s0, s9;
	s0 =	simm.s32 $0x5;
	[dreg:$0xb] =	wrdreg s22  }
0x19: {  	s2 =	simm.s32 $0x8;
	s9 =	simm.s32 $0x9;
	[dreg:$0xc] =	wrdreg s23  }
0x1a: {  	s19 =	simm.s32 $0xA;
	s21 =	simm.s32 $0x50;
	s22 =	simm.s32 $0x2900  }
0x1b: {  	s23 =	simm.s32 $0x2800;
	s5 =	simm.s32 $0x6;
	s8 =	simm.s32 $0x3  }
.LBB2_4:
0x1c: {  	_ =	swait.ge [sflag:s0], $0x50  }
0x1d: {  	[sflag:s0] =	ssyncset.done $0x0  }
0x1e: {  	[sflag:s0] =	ssyncadd.s32 $0xFFFFFFB0  }
0x1f: {  	_ =	swait.ge [sflag:s26], $0x2800  }
0x20: {  	[sflag:s26] =	ssyncset.done $0x0  }
0x21: {  	[sflag:s26] =	ssyncadd.s32 $0xFFFFD800  }
0x22: {  	[spmem:s3] =	stream.indirect.scatter.add.f32 [tilespmem:s24], [sflag:$0x8], $0x80, s23, s21, $0xb8;
	[tilespmem:$0x1DD00] =	vst v63  }
0x23: {  	_ =	swait.ge [sflag:s2], $0x2800  }
0x24: {  	[sflag:s2] =	ssyncset.done $0x0  }
0x25: {  	[sflag:s2] =	ssyncadd.s32 $0xFFFFD800  }
0x26: {  	[bflag:$0x0] =	sbarrier.arrive $0xFFFF  }
0x27: {  	s7 =	rddreg [dreg:$0x8]  }
0x28: {  	[hbm:s7], [sflag:s6] =	dma.local [spmem:s18], $0x2780  }
0x29: {  	_ =	swait.ge [sflag:s19], $0x2780  }
0x2a: {  	s10 =	sadd.s32 $0x1, s10;
	s14 =	rddreg [dreg:$0x9]  }
0x2b: {  	p0 =	sne.s32 s10, s14  }
.Ltmp1:
0x2c: {  	_ = 	snop;
	(pc) =	sbr.rel @!p0 .LBB2_5-.Ltmp1, $3  }
0x2d: {  	_ =	sdelay $0x1  }
0x2e: {  	[sflag:s19] =	ssyncset.done $0x0  }
0x2f: {  	[sflag:s19] =	ssyncadd.s32 $0xFFFFD880  }
.LBB2_1:
0x30: {  	s7 =	rddreg [dreg:$0x4]  }
0x31: {  	[spmem:s18], [sflag:s6] =	dma.local [hbm:s7], $0x2780  }
0x32: {  	_ =	swait.ge [sflag:s19], $0x2780  }
0x33: {  	[sflag:s19] =	ssyncset.done $0x0  }
0x34: {  	[sflag:s19] =	ssyncadd.s32 $0xFFFFD880  }
0x35: {  	[bflag:$0x0] =	sbarrier.arrive $0xFFFF  }
0x36: {  	s14 =	rddreg [dreg:$0x6]  }
0x37: {  	[tilespmem:s4], [sflag:$0xA] =	stream.linear.gather [hbm4b:s14+s4], $0x2710, $0x38;
	[tilespmem:$0x1DD00] =	vst v63  }
0x38: {  	_ =	swait.ge [sflag:s19], $0x2710  }
0x39: {  	[sflag:s19] =	ssyncset.done $0x0  }
0x3a: {  	s11 =	rddreg [dreg:$0x5];
	[sflag:s19] =	ssyncadd.s32 $0xFFFFD8F0  }
0x3b: {  	[tilespmem:s20], [sflag:$0x4] =	stream.linear.gather [hbm4b:s11+s4], $0x50, $0x38;
	[tilespmem:$0x1DD00] =	vst v63  }
0x3c: {  	_ = 	snop  }
0x3d: {  	[tilespmem:s22], [sflag:$0x1] =	stream.indirect.gather [hbm4b:s1+s21], $0x80, s4, s21, $0xb8;
	[tilespmem:$0x1DD00] =	vst v63  }
0x3e: {  	s12 =	rddreg [dreg:$0x7]  }
0x3f: {  	[tilespmem:s23], [sflag:$0x5] =	stream.linear.gather [hbm4b:s12+s4], $0x50, $0x38;
	[tilespmem:$0x1DD00] =	vst v63  }
0x40: {  	_ = 	snop  }
0x41: {  	[tilespmem:s24], [sflag:$0x2] =	stream.indirect.gather [hbm4b:s1+s21], $0x80, s21, s21, $0xb8;
	[tilespmem:$0x1DD00] =	vst v63  }
0x42: {  	s13 =	rddreg [dreg:$0xa]  }
0x43: {  	[tilespmem:s25], [sflag:$0x6] =	stream.linear.gather [hbm4b:s13+s4], $0x50, $0x38;
	[tilespmem:$0x1DD00] =	vst v63  }
0x44: {  	s14 =	simm.s32 $0xA0  }
0x45: {  	[tilespmem:s28], [sflag:$0x3] =	stream.indirect.gather [hbm4b:s1+s21], $0x80, s14, s21, $0xb8;
	[tilespmem:$0x1DD00] =	vst v63  }
0x46: {  	_ =	swait.ge [sflag:s29], $0x50  }
0x47: {  	[sflag:s29] =	ssyncset.done $0x0  }
0x48: {  	[sflag:s29] =	ssyncadd.s32 $0xFFFFFFB0  }
0x49: {  	_ =	swait.ge [sflag:s30], $0x2800  }
0x4a: {  	[sflag:s30] =	ssyncset.done $0x0  }
0x4b: {  	[sflag:s30] =	ssyncadd.s32 $0xFFFFD800  }
0x4c: {  	[spmem:s3] =	stream.indirect.scatter.add.f32 [tilespmem:s22], [sflag:$0x7], $0x80, s20, s21, $0xb8;
	[tilespmem:$0x1DD00] =	vst v63  }
0x4d: {  	_ =	swait.ge [sflag:s31], $0x2800  }
0x4e: {  	[sflag:s31] =	ssyncset.done $0x0  }
0x4f: {  	s11 =	rddreg [dreg:$0xb];
	[sflag:s31] =	ssyncadd.s32 $0xFFFFD800  }
0x50: {  	[tilespmem:s20], [sflag:$0x4] =	stream.linear.gather [hbm4b:s11+s4], $0x50, $0x38;
	[tilespmem:$0x1DD00] =	vst v63  }
0x51: {  	s12 =	simm.s32 $0xF0  }
0x52: {  	[tilespmem:s22], [sflag:$0x1] =	stream.indirect.gather [hbm4b:s1+s21], $0x80, s12, s21, $0xb8;
	[tilespmem:$0x1DD00] =	vst v63  }
0x53: {  	_ =	swait.ge [sflag:s0], $0x50  }
0x54: {  	[sflag:s0] =	ssyncset.done $0x0  }
0x55: {  	[sflag:s0] =	ssyncadd.s32 $0xFFFFFFB0  }
0x56: {  	_ =	swait.ge [sflag:s26], $0x2800  }
0x57: {  	[sflag:s26] =	ssyncset.done $0x0  }
0x58: {  	[sflag:s26] =	ssyncadd.s32 $0xFFFFD800  }
0x59: {  	[spmem:s3] =	stream.indirect.scatter.add.f32 [tilespmem:s24], [sflag:$0x8], $0x80, s23, s21, $0xb8;
	[tilespmem:$0x1DD00] =	vst v63  }
0x5a: {  	_ =	swait.ge [sflag:s2], $0x2800  }
0x5b: {  	[sflag:s2] =	ssyncset.done $0x0  }
0x5c: {  	s13 =	rddreg [dreg:$0xc];
	[sflag:s2] =	ssyncadd.s32 $0xFFFFD800  }
0x5d: {  	[tilespmem:s23], [sflag:$0x5] =	stream.linear.gather [hbm4b:s13+s4], $0x50, $0x38;
	[tilespmem:$0x1DD00] =	vst v63  }
0x5e: {  	s14 =	simm.s32 $0x140  }
0x5f: {  	[tilespmem:s24], [sflag:$0x2] =	stream.indirect.gather [hbm4b:s1+s21], $0x80, s14, s21, $0xb8;
	[tilespmem:$0x1DD00] =	vst v63  }
0x60: {  	_ =	swait.ge [sflag:s5], $0x50  }
0x61: {  	[sflag:s5] =	ssyncset.done $0x0  }
0x62: {  	[sflag:s5] =	ssyncadd.s32 $0xFFFFFFB0  }
0x63: {  	_ =	swait.ge [sflag:s8], $0x2800  }
0x64: {  	[sflag:s8] =	ssyncset.done $0x0  }
0x65: {  	s11 =	simm.s32 $0x230;
	s12 =	simm.s32 $0x0;
	[sflag:s8] =	ssyncadd.s32 $0xFFFFD800  }
0x66: {  	[spmem:s3] =	stream.indirect.scatter.add.f32 [tilespmem:s28], [sflag:$0x9], $0x80, s25, s21, $0xb8;
	[tilespmem:$0x1DD00] =	vst v63  }
.LBB2_2:
0x67: {  	_ =	swait.ge [sflag:s9], $0x2800;
	p0 =	seq.s32 s12, $0x4B0  }
0x68: {  	[sflag:s9] =	ssyncset.done $0x0;
	s13 =	sadd.s32 @!p0 s12, s17  }
0x69: {  	s14 =	simm.s32 @!p0 $0x0;
	s7 =	simm.s32 @!p0 $0x2880;
	[sflag:s9] =	ssyncadd.s32 $0xFFFFD800  }
0x6a: {  	[tilespmem:s7], [sflag:$0x6] =	stream.linear.gather @!p0 [hbm4b:s13+s14], $0x50, $0x38;
	[tilespmem:$0x1DD00] =	vst v63  }
0x6b: {  	s7 =	sadd.s32 @!p0 $0xFFFFFF60, s11;
	s13 =	simm.s32 @!p0 $0x50;
	s14 =	simm.s32 @!p0 $0x7900  }
0x6c: {  	[tilespmem:s14], [sflag:$0x3] =	stream.indirect.gather @!p0 [hbm4b:s1+s13], $0x80, s7, s13, $0xb8;
	[tilespmem:$0x1DD00] =	vst v63  }
0x6d: {  	_ =	swait.ge [sflag:s29], $0x50  }
0x6e: {  	[sflag:s29] =	ssyncset.done $0x0  }
0x6f: {  	[sflag:s29] =	ssyncadd.s32 $0xFFFFFFB0  }
0x70: {  	_ =	swait.ge [sflag:s30], $0x2800  }
0x71: {  	[sflag:s30] =	ssyncset.done $0x0  }
.Ltmp2:
0x72: {  	[sflag:s30] =	ssyncadd.s32 $0xFFFFD800;
	(pc) =	sbr.rel @p0 .LBB2_4-.Ltmp2, $4  }
0x73: {  	[spmem:s3] =	stream.indirect.scatter.add.f32 [tilespmem:s22], [sflag:$0x7], $0x80, s20, s21, $0xb8;
	[tilespmem:$0x1DD00] =	vst v63  }
0x74: {  	_ =	swait.ge [sflag:s31], $0x2800  }
0x75: {  	[sflag:s31] =	ssyncset.done $0x0  }
0x76: {  	[sflag:s31] =	ssyncadd.s32 $0xFFFFD800  }
0x77: {  	s7 =	sadd.s32 s12, s16  }
0x78: {  	[tilespmem:s20], [sflag:$0x4] =	stream.linear.gather [hbm4b:s7+s4], $0x50, $0x38;
	[tilespmem:$0x1DD00] =	vst v63  }
0x79: {  	s13 =	sadd.s32 $0xFFFFFFB0, s11  }
0x7a: {  	[tilespmem:s22], [sflag:$0x1] =	stream.indirect.gather [hbm4b:s1+s21], $0x80, s13, s21, $0xb8;
	[tilespmem:$0x1DD00] =	vst v63  }
0x7b: {  	_ =	swait.ge [sflag:s0], $0x50  }
0x7c: {  	[sflag:s0] =	ssyncset.done $0x0  }
0x7d: {  	[sflag:s0] =	ssyncadd.s32 $0xFFFFFFB0  }
0x7e: {  	_ =	swait.ge [sflag:s26], $0x2800  }
0x7f: {  	[sflag:s26] =	ssyncset.done $0x0  }
0x80: {  	[sflag:s26] =	ssyncadd.s32 $0xFFFFD800  }
0x81: {  	[spmem:s3] =	stream.indirect.scatter.add.f32 [tilespmem:s24], [sflag:$0x8], $0x80, s23, s21, $0xb8;
	[tilespmem:$0x1DD00] =	vst v63  }
0x82: {  	_ =	swait.ge [sflag:s2], $0x2800  }
0x83: {  	[sflag:s2] =	ssyncset.done $0x0  }
0x84: {  	s14 =	sadd.s32 s12, s15;
	[sflag:s2] =	ssyncadd.s32 $0xFFFFD800  }
0x85: {  	[tilespmem:s23], [sflag:$0x5] =	stream.linear.gather [hbm4b:s14+s4], $0x50, $0x38;
	[tilespmem:$0x1DD00] =	vst v63  }
0x86: {  	_ = 	snop  }
0x87: {  	[tilespmem:s24], [sflag:$0x2] =	stream.indirect.gather [hbm4b:s1+s21], $0x80, s11, s21, $0xb8;
	[tilespmem:$0x1DD00] =	vst v63  }
0x88: {  	_ =	swait.ge [sflag:s5], $0x50  }
0x89: {  	[sflag:s5] =	ssyncset.done $0x0  }
.Ltmp3:
0x8a: {  	[sflag:s5] =	ssyncadd.s32 $0xFFFFFFB0;
	(pc) =	sbr.rel .LBB2_2-.Ltmp3, $4  }
0x8b: {  	_ =	swait.ge [sflag:s8], $0x2800  }
0x8c: {  	[sflag:s8] =	ssyncset.done $0x0  }
0x8d: {  	s12 =	sadd.s32 $0x1E, s12;
	s11 =	sadd.s32 $0xF0, s11;
	[sflag:s8] =	ssyncadd.s32 $0xFFFFD800  }
0x8e: {  	[spmem:s3] =	stream.indirect.scatter.add.f32 [tilespmem:s28], [sflag:$0x9], $0x80, s25, s21, $0xb8;
	[tilespmem:$0x1DD00] =	vst v63  }
.LBB2_5:
0x8f: {  	_ =	sfence.sel $0x180000  }
0x90: {  	[bflag:$0x0] =	sbarrier.arrive $0xFFFF  }
0x91: {  	_ =	strace $0x9000004A  }
0x92: {  	s0 =	stileid.u32;
	[bflag:$0x2] =	sbarrier.arrive $0xFFFF  }
0x93: {  	p0 =	sne.s32 s0, $0x0;
	s0 =	rddreg [dreg:$0x3]  }
0x94: {  	s0 =	sadd.s32 @!p0 $0x100000, s0  }
0x95: {  	[sflag:s0] =	ssyncadd.tile.s32 @!p0 $0x1;
	_ =	shalt  }
.Lfunc_end2:
_tile_overlayer_lowered:
.L_overlay_start_2:
0x96: {  	(tag) =	ssettag $0x2  }
0x97: {  	s0 =	rddreg [dreg:$0x0];
	s2 =	stileid.u32  }
0x98: {  	s1 =	rddreg [dreg:$0x1];
	p0 =	sne.s32 s2, $0x0  }
0x99: {  	s3 =	rddreg [dreg:$0x2];
	[bflag:$0x3] =	sbarrier.arrive $0xFFFF;
	s2 =	simm.s32 @!p0 $0x1C0A  }
0x9a: {  	[timem:s3], [sflag:s2] =	dma.local @!p0 [hbm:s0], s1  }
0x9b: {  	s0 =	simm.s32 @!p0 $0xA  }
0x9c: {  	_ =	swait.ge @!p0 [sflag:s0], s1  }
0x9d: {  	s1 =	ssub.s32 @!p0 $0x0, s1;
	[sflag:s0] =	ssyncset.done @!p0 $0x0  }
0x9e: {  	[sflag:s0] =	ssyncadd.s32 @!p0 s1  }
0x9f: {  	[bflag:$0x3] =	sbarrier.arrive $0xFFFF  }
0xa0: {  	_ =	shalt  }

</sc_bundles>
